<compile_context>
chip_gen: v7x
topology: tpu7x:2x2x1
jax: 0.10.2.dev20260603
libtpu: 0.0.44.dev20260713+nightly
codegen_flags: <defaults>
</compile_context>

<pallas_src>
import jax
import jax.numpy as jnp
from jax import lax
from jax.experimental import pallas as pl
from jax.experimental.pallas import tpu as pltpu
from jax.experimental.pallas import tpu_sc as plsc

N = 10000
E = 320000
D = 128
H = 10
NP = 10240
HP = 16
FH = 5
L = 16
NC, NS = 2, 16
NW = NC * NS
CH = 10000

_mesh = plsc.VectorSubcoreMesh(
    core_axis_name="c", subcore_axis_name="s", num_cores=NC, num_subcores=NS
)
_sc_params = pltpu.CompilerParams(needs_layout_passes=False)


def _deg_body(ei_hbm, zeros_hbm, out_hbm, dst_v, acc_v):
    wid = lax.axis_index("c") * NS + lax.axis_index("s")
    epw = E // NW
    pltpu.sync_copy(zeros_hbm, acc_v)
    pltpu.sync_copy(ei_hbm.at[pl.ds(E + wid * epw, epw)], dst_v)
    ones = jnp.ones((L,), jnp.float32)

    @plsc.parallel_loop(0, epw // L, unroll=8)
    def body(i):
        dv = dst_v[pl.ds(i * L, L)]
        plsc.addupdate_scatter(acc_v, [dv], ones)

    pltpu.sync_copy(acc_v, out_hbm.at[pl.ds(wid * NP, NP)])


_deg_call = pl.kernel(
    _deg_body,
    out_type=jax.ShapeDtypeStruct((NW * NP,), jnp.float32),
    mesh=_mesh,
    compiler_params=_sc_params,
    scratch_types=[
        pltpu.VMEM((E // NW,), jnp.int32),
        pltpu.VMEM((NP,), jnp.float32),
    ],
)


def _edge1_body(g1t_hbm, ei_hbm, zeros_hbm, out_hbm, *refs):
    g1_refs = refs[0:FH]
    acc_refs = refs[FH:2 * FH]
    src_v, dst_v = refs[2 * FH], refs[2 * FH + 1]
    c = lax.axis_index("c")
    s = lax.axis_index("s")
    epw = E // NS
    base = s * epw
    for j in range(FH):
        pltpu.sync_copy(g1t_hbm.at[pl.ds((c * FH + j) * NP, NP)], g1_refs[j])
        pltpu.sync_copy(zeros_hbm, acc_refs[j])
    for ch in range(epw // CH):
        pltpu.sync_copy(ei_hbm.at[pl.ds(base + ch * CH, CH)], src_v)
        pltpu.sync_copy(ei_hbm.at[pl.ds(E + base + ch * CH, CH)], dst_v)

        @plsc.parallel_loop(0, CH // L, unroll=8)
        def body(i):
            sv = src_v[pl.ds(i * L, L)]
            dv = dst_v[pl.ds(i * L, L)]
            for j in range(FH):
                vals = plsc.load_gather(g1_refs[j], [sv])
                plsc.addupdate_scatter(acc_refs[j], [dv], vals)

    for j in range(FH):
        pltpu.sync_copy(acc_refs[j],
                        out_hbm.at[pl.ds((s * H + c * FH + j) * NP, NP)])


_edge1_call = pl.kernel(
    _edge1_body,
    out_type=jax.ShapeDtypeStruct((NS * H * NP,), jnp.float32),
    mesh=_mesh,
    compiler_params=_sc_params,
    scratch_types=(
        [pltpu.VMEM((NP,), jnp.float32)] * (2 * FH)
        + [pltpu.VMEM((CH,), jnp.int32)] * 2
    ),
)


def _edge2_body(g2_hbm, ei_hbm, zeros_hbm, out_hbm,
                g2_v, acc_v, src_v, dst_v):
    wid = lax.axis_index("c") * NS + lax.axis_index("s")
    epw = E // NW
    base = wid * epw
    pltpu.sync_copy(g2_hbm, g2_v)
    pltpu.sync_copy(zeros_hbm, acc_v)
    pltpu.sync_copy(ei_hbm.at[pl.ds(base, epw)], src_v)
    pltpu.sync_copy(ei_hbm.at[pl.ds(E + base, epw)], dst_v)

    @plsc.parallel_loop(0, epw // L, unroll=8)
    def body(i):
        sv = src_v[pl.ds(i * L, L)]
        dv = dst_v[pl.ds(i * L, L)]
        vals = plsc.load_gather(g2_v, [sv])
        plsc.addupdate_scatter(acc_v, [dv], vals)

    pltpu.sync_copy(acc_v, out_hbm.at[pl.ds(wid * NP, NP)])


_edge2_call = pl.kernel(
    _edge2_body,
    out_type=jax.ShapeDtypeStruct((NW * NP,), jnp.float32),
    mesh=_mesh,
    compiler_params=_sc_params,
    scratch_types=[
        pltpu.VMEM((NP,), jnp.float32),
        pltpu.VMEM((NP,), jnp.float32),
        pltpu.VMEM((E // NW,), jnp.int32),
        pltpu.VMEM((E // NW,), jnp.int32),
    ],
)


def _mm1a_body(x_ref, w1_ref, h1t_ref):
    h1 = jnp.dot(x_ref[...], w1_ref[...],
                 preferred_element_type=jnp.float32)
    h1t_ref[...] = jnp.concatenate(
        [h1.T, jnp.zeros((HP, NP - N), jnp.float32)], axis=1)


_mm1a_call = pl.pallas_call(
    _mm1a_body,
    out_shape=jax.ShapeDtypeStruct((HP, NP), jnp.float32),
)


def _mm1b_body(degp_ref, h1t_ref, g1t_ref, dinv_ref):
    degp = degp_ref[...].reshape(NW, NP)
    deg = jnp.sum(degp, axis=0, keepdims=True) + 1.0
    dinv = lax.rsqrt(deg)
    g1t_ref[...] = (h1t_ref[...] * dinv).reshape(HP * NP)
    dinv_ref[...] = dinv


_mm1b_call = pl.pallas_call(
    _mm1b_body,
    out_shape=[
        jax.ShapeDtypeStruct((HP * NP,), jnp.float32),
        jax.ShapeDtypeStruct((1, NP), jnp.float32),
    ],
)


def _mm2_body(p1p_ref, h1t_ref, dinv_ref, b1_ref, w2t_ref, h2_ref, g2_ref):
    p1p = p1p_ref[...].reshape(NS, H, NP)
    p1 = jnp.sum(p1p, axis=0)
    dinv = dinv_ref[...]
    h1t = h1t_ref[...][:H, :]
    out1 = p1 * dinv + (dinv * dinv) * h1t + b1_ref[...]
    out1 = jnp.maximum(out1, 0.0)
    h2 = jnp.dot(w2t_ref[...], out1,
                 preferred_element_type=jnp.float32)
    h2_ref[...] = h2
    g2_ref[...] = (h2 * dinv).reshape(NP)


_mm2_call = pl.pallas_call(
    _mm2_body,
    out_shape=[
        jax.ShapeDtypeStruct((1, NP), jnp.float32),
        jax.ShapeDtypeStruct((NP,), jnp.float32),
    ],
)


def _fin_body(p2p_ref, h2_ref, dinv_ref, b2_ref, out_ref):
    p2p = p2p_ref[...].reshape(NW, NP)
    dinv = dinv_ref[...]
    col = (dinv * jnp.sum(p2p, axis=0, keepdims=True)
           + (dinv * dinv) * h2_ref[...] + b2_ref[...])
    e0 = (lax.broadcasted_iota(jnp.int32, (1, D), 1) == 0)
    out_ref[...] = lax.dot_general(
        col[:, :N], e0.astype(jnp.float32), (((0,), (0,)), ((), ())),
        preferred_element_type=jnp.float32)


_fin_call = pl.pallas_call(
    _fin_body,
    out_shape=jax.ShapeDtypeStruct((N, D), jnp.float32),
)


def kernel(x, edge_index, W1, b1, W2, b2):
    ei = edge_index.astype(jnp.int32).reshape(2 * E)
    w1p = jnp.pad(W1.astype(jnp.float32), ((0, 0), (0, HP - H)))
    b1c = b1.astype(jnp.float32).reshape(H, 1)
    w2t = W2.astype(jnp.float32).reshape(1, H)
    b2c = b2.astype(jnp.float32).reshape(1, 1)
    z_np = jnp.zeros((NP,), jnp.float32)

    degp = _deg_call(ei, z_np)
    h1t = _mm1a_call(x, w1p)
    g1t, dinv = _mm1b_call(degp, h1t)
    p1p = _edge1_call(g1t, ei, z_np)
    h2, g2 = _mm2_call(p1p, h1t, dinv, b1c, w2t)
    p2p = _edge2_call(g2, ei, z_np)
    out = _fin_call(p2p, h2, dinv, b2c)
    return out

# --- scband reference (transcript-rebuilt; emitter-appended) ---
"""Pipeline reference for scband-simple-gnn-27522150432987 (READ-ONLY COPY).

The authoritative reference and input builder live on the scoring server;
editing this copy changes nothing except your own understanding.
"""

import jax, jax.numpy as jnp
import numpy as np

N = 10000
E = 320000
D = 128
H = 10


def setup_inputs(seed: int = 0) -> dict:
    key = jax.random.key(seed)
    k1, k2, k3, k4, k5, k6 = jax.random.split(key, 6)
    x = jax.random.normal(k1, (N, D), dtype=jnp.float32)
    edge_index = jax.random.randint(k2, (2, E), 0, N, dtype=jnp.int64)
    # GCNConv weights (glorot-like) and biases
    W1 = jax.random.normal(k3, (D, H), dtype=jnp.float32) * (1.0 / np.sqrt(D))
    b1 = jnp.zeros((H,), dtype=jnp.float32)
    W2 = jax.random.normal(k4, (H, 1), dtype=jnp.float32) * (1.0 / np.sqrt(H))
    b2 = jnp.zeros((1,), dtype=jnp.float32)
    return {"x": x, "edge_index": edge_index, "W1": W1, "b1": b1, "W2": W2, "b2": b2}


def _gcn_conv(x, src, dst, W, b, num_nodes):
    # PyG GCNConv: linear transform, then symmetric-normalized propagate with self-loops
    h = x @ W
    loop = jnp.arange(num_nodes, dtype=src.dtype)
    s = jnp.concatenate([src, loop])
    d = jnp.concatenate([dst, loop])
    deg = jnp.zeros((num_nodes,), dtype=h.dtype).at[d].add(1.0)
    dinv = jnp.where(deg > 0, 1.0 / jnp.sqrt(deg), 0.0)
    norm = dinv[s] * dinv[d]
    msg = h[s] * norm[:, None]
    out = jnp.zeros((num_nodes, h.shape[1]), dtype=h.dtype).at[d].add(msg)
    return out + b


def reference(x, edge_index, W1, b1, W2, b2):
    src, dst = edge_index[0], edge_index[1]
    num_nodes = x.shape[0]
    h = _gcn_conv(x, src, dst, W1, b1, num_nodes)
    h = jax.nn.relu(h)
    h = _gcn_conv(h, src, dst, W2, b2, num_nodes)
    # nn.ConstantPad1d((0, num_node_features - 1), 0): pad last dim from 1 -> D
    out = jnp.pad(h, ((0, 0), (0, D - 1)), constant_values=0.0)
    return out

if __name__ == "__main__":
    import jax
    _d = setup_inputs()
    print(jax.jit(kernel)(*tuple(_d.values())))

</pallas_src>

<mosaic_0001>
#map = affine_map<(d0, d1) -> (0)>
module attributes {stable_mosaic.version = 14 : i64} {
  func.func @_deg_body(%arg0: i32, %arg1: i32, %arg2: memref<640000xi32, #tpu.memory_space<hbm>>, %arg3: memref<10240xf32, #tpu.memory_space<hbm>>, %arg4: memref<327680xf32, #tpu.memory_space<hbm>>, %arg5: memref<10000xi32, #tpu.memory_space<vmem>>, %arg6: memref<10240xf32, #tpu.memory_space<vmem>>) attributes {dimension_semantics = [#tpu.dimension_semantics<core_parallel>, #tpu.dimension_semantics<subcore_parallel>], iteration_bounds = array<i64: 2, 16>, scalar_prefetch = 0 : i64, scratch_operands = 2 : i64, tpu.core_type = #tpu.core_type<sc_vector_subcore>, window_params = [{transform_indices = #map}, {transform_indices = #map}, {transform_indices = #map}]} {
    %mul3A = arith.constant 16 : i32
    %mul3A_0 = arith.muli %arg0, %mul3A : i32
    %add3A = arith.addi %mul3A_0, %arg1 : i32
    "tpu.region"() ({
      %run_scoped3A = tpu.sem_alloc : memref<!tpu.dma_semaphore, #tpu.memory_space<semaphore_mem>>
      tpu.enqueue_dma source(%arg3 : memref<10240xf32, #tpu.memory_space<hbm>>) target(%arg6 : memref<10240xf32, #tpu.memory_space<vmem>>) target_semaphore(%run_scoped3A : memref<!tpu.dma_semaphore, #tpu.memory_space<semaphore_mem>>)
      tpu.wait_dma2 semaphore(%run_scoped3A : memref<!tpu.dma_semaphore, #tpu.memory_space<semaphore_mem>>) src(%arg3 : memref<10240xf32, #tpu.memory_space<hbm>>) dst(%arg6 : memref<10240xf32, #tpu.memory_space<vmem>>)
      tpu.yield
    }) : () -> ()
    %mul3A_1 = arith.constant 10000 : i32
    %mul3A_2 = arith.muli %add3A, %mul3A_1 : i32
    %add3A_3 = arith.constant 320000 : i32
    %add3A_4 = arith.addi %add3A_3, %mul3A_2 : i32
    "tpu.region"() ({
      %run_scoped3A = tpu.sem_alloc : memref<!tpu.dma_semaphore, #tpu.memory_space<semaphore_mem>>
      %dma_start3A = tpu.memref_slice %arg2[%add3A_4] : memref<640000xi32, #tpu.memory_space<hbm>> -> memref<10000xi32, #tpu.memory_space<hbm>>
      %dma_start3A_10 = tpu.memref_slice %arg2[%add3A_4] : memref<640000xi32, #tpu.memory_space<hbm>> -> memref<10000xi32, #tpu.memory_space<hbm>>
      tpu.enqueue_dma source(%dma_start3A_10 : memref<10000xi32, #tpu.memory_space<hbm>>) target(%arg5 : memref<10000xi32, #tpu.memory_space<vmem>>) target_semaphore(%run_scoped3A : memref<!tpu.dma_semaphore, #tpu.memory_space<semaphore_mem>>)
      %dma_wait3A = tpu.memref_slice %arg2[%add3A_4] : memref<640000xi32, #tpu.memory_space<hbm>> -> memref<10000xi32, #tpu.memory_space<hbm>>
      %dma_wait3A_11 = tpu.memref_slice %arg2[%add3A_4] : memref<640000xi32, #tpu.memory_space<hbm>> -> memref<10000xi32, #tpu.memory_space<hbm>>
      tpu.wait_dma2 semaphore(%run_scoped3A : memref<!tpu.dma_semaphore, #tpu.memory_space<semaphore_mem>>) src(%dma_wait3A_11 : memref<10000xi32, #tpu.memory_space<hbm>>) dst(%arg5 : memref<10000xi32, #tpu.memory_space<vmem>>)
      tpu.yield
    }) : () -> ()
    %broadcast_in_dim3A = arith.constant 1.000000e+00 : f32
    %broadcast_in_dim3A_5 = vector.broadcast %broadcast_in_dim3A : f32 to vector<16xf32>
    %parallel_loop3A = arith.constant 0 : i32
    %parallel_loop3A_6 = arith.constant 625 : i32
    %parallel_loop3A_7 = arith.constant 1 : i32
    scf.for %parallel_loop3A_10 = %parallel_loop3A to %parallel_loop3A_6 step %parallel_loop3A_7  : i32 {
      %parallel_loop3A_11 = arith.constant 16 : i32
      %parallel_loop3A_12 = arith.muli %parallel_loop3A_10, %parallel_loop3A_11 : i32
      %parallel_loop3A_13 = arith.index_cast %parallel_loop3A_12 : i32 to index
      %parallel_loop3A_14 = tpu.vector_load %arg5[%parallel_loop3A_13] {strides = array<i32>} : memref<10000xi32, #tpu.memory_space<vmem>>, vector<16xi32>,
      tpu.vector_store_idx %arg6[%parallel_loop3A_14], %broadcast_in_dim3A_5 {add = true} : memref<10240xf32, #tpu.memory_space<vmem>>[vector<16xi32>], vector<16xf32>,
    } {sc.loop_unroll_factor = 8 : i64, sc.parallel_access}
    %mul3A_8 = arith.constant 10240 : i32
    %mul3A_9 = arith.muli %add3A, %mul3A_8 : i32
    "tpu.region"() ({
      %run_scoped3A = tpu.sem_alloc : memref<!tpu.dma_semaphore, #tpu.memory_space<semaphore_mem>>
      %dma_start3A = tpu.memref_slice %arg4[%mul3A_9] : memref<327680xf32, #tpu.memory_space<hbm>> -> memref<10240xf32, #tpu.memory_space<hbm>>
      %dma_start3A_10 = tpu.memref_slice %arg4[%mul3A_9] : memref<327680xf32, #tpu.memory_space<hbm>> -> memref<10240xf32, #tpu.memory_space<hbm>>
      tpu.enqueue_dma source(%arg6 : memref<10240xf32, #tpu.memory_space<vmem>>) target(%dma_start3A_10 : memref<10240xf32, #tpu.memory_space<hbm>>) target_semaphore(%run_scoped3A : memref<!tpu.dma_semaphore, #tpu.memory_space<semaphore_mem>>)
      %dma_wait3A = tpu.memref_slice %arg4[%mul3A_9] : memref<327680xf32, #tpu.memory_space<hbm>> -> memref<10240xf32, #tpu.memory_space<hbm>>
      %dma_wait3A_11 = tpu.memref_slice %arg4[%mul3A_9] : memref<327680xf32, #tpu.memory_space<hbm>> -> memref<10240xf32, #tpu.memory_space<hbm>>
      tpu.wait_dma2 semaphore(%run_scoped3A : memref<!tpu.dma_semaphore, #tpu.memory_space<semaphore_mem>>) src(%arg6 : memref<10240xf32, #tpu.memory_space<vmem>>) dst(%dma_wait3A_11 : memref<10240xf32, #tpu.memory_space<hbm>>)
      tpu.yield
    }) : () -> ()
    return
  }
}

#map = affine_map<(d0, d1) -> (0)>
module attributes {stable_mosaic.version = 14 : i64} {
  func.func @_edge2_body(%arg0: i32, %arg1: i32, %arg2: memref<10240xf32, #tpu.memory_space<hbm>>, %arg3: memref<640000xi32, #tpu.memory_space<hbm>>, %arg4: memref<10240xf32, #tpu.memory_space<hbm>>, %arg5: memref<327680xf32, #tpu.memory_space<hbm>>, %arg6: memref<10240xf32, #tpu.memory_space<vmem>>, %arg7: memref<10240xf32, #tpu.memory_space<vmem>>, %arg8: memref<10000xi32, #tpu.memory_space<vmem>>, %arg9: memref<10000xi32, #tpu.memory_space<vmem>>) attributes {dimension_semantics = [#tpu.dimension_semantics<core_parallel>, #tpu.dimension_semantics<subcore_parallel>], iteration_bounds = array<i64: 2, 16>, scalar_prefetch = 0 : i64, scratch_operands = 4 : i64, tpu.core_type = #tpu.core_type<sc_vector_subcore>, window_params = [{transform_indices = #map}, {transform_indices = #map}, {transform_indices = #map}, {transform_indices = #map}]} {
    %mul3A = arith.constant 16 : i32
    %mul3A_0 = arith.muli %arg0, %mul3A : i32
    %add3A = arith.addi %mul3A_0, %arg1 : i32
    %mul3A_1 = arith.constant 10000 : i32
    %mul3A_2 = arith.muli %add3A, %mul3A_1 : i32
    "tpu.region"() ({
      %run_scoped3A = tpu.sem_alloc : memref<!tpu.dma_semaphore, #tpu.memory_space<semaphore_mem>>
      tpu.enqueue_dma source(%arg2 : memref<10240xf32, #tpu.memory_space<hbm>>) target(%arg6 : memref<10240xf32, #tpu.memory_space<vmem>>) target_semaphore(%run_scoped3A : memref<!tpu.dma_semaphore, #tpu.memory_space<semaphore_mem>>)
      tpu.wait_dma2 semaphore(%run_scoped3A : memref<!tpu.dma_semaphore, #tpu.memory_space<semaphore_mem>>) src(%arg2 : memref<10240xf32, #tpu.memory_space<hbm>>) dst(%arg6 : memref<10240xf32, #tpu.memory_space<vmem>>)
      tpu.yield
    }) : () -> ()
    "tpu.region"() ({
      %run_scoped3A = tpu.sem_alloc : memref<!tpu.dma_semaphore, #tpu.memory_space<semaphore_mem>>
      tpu.enqueue_dma source(%arg4 : memref<10240xf32, #tpu.memory_space<hbm>>) target(%arg7 : memref<10240xf32, #tpu.memory_space<vmem>>) target_semaphore(%run_scoped3A : memref<!tpu.dma_semaphore, #tpu.memory_space<semaphore_mem>>)
      tpu.wait_dma2 semaphore(%run_scoped3A : memref<!tpu.dma_semaphore, #tpu.memory_space<semaphore_mem>>) src(%arg4 : memref<10240xf32, #tpu.memory_space<hbm>>) dst(%arg7 : memref<10240xf32, #tpu.memory_space<vmem>>)
      tpu.yield
    }) : () -> ()
    "tpu.region"() ({
      %run_scoped3A = tpu.sem_alloc : memref<!tpu.dma_semaphore, #tpu.memory_space<semaphore_mem>>
      %dma_start3A = tpu.memref_slice %arg3[%mul3A_2] : memref<640000xi32, #tpu.memory_space<hbm>> -> memref<10000xi32, #tpu.memory_space<hbm>>
      %dma_start3A_9 = tpu.memref_slice %arg3[%mul3A_2] : memref<640000xi32, #tpu.memory_space<hbm>> -> memref<10000xi32, #tpu.memory_space<hbm>>
      tpu.enqueue_dma source(%dma_start3A_9 : memref<10000xi32, #tpu.memory_space<hbm>>) target(%arg8 : memref<10000xi32, #tpu.memory_space<vmem>>) target_semaphore(%run_scoped3A : memref<!tpu.dma_semaphore, #tpu.memory_space<semaphore_mem>>)
      %dma_wait3A = tpu.memref_slice %arg3[%mul3A_2] : memref<640000xi32, #tpu.memory_space<hbm>> -> memref<10000xi32, #tpu.memory_space<hbm>>
      %dma_wait3A_10 = tpu.memref_slice %arg3[%mul3A_2] : memref<640000xi32, #tpu.memory_space<hbm>> -> memref<10000xi32, #tpu.memory_space<hbm>>
      tpu.wait_dma2 semaphore(%run_scoped3A : memref<!tpu.dma_semaphore, #tpu.memory_space<semaphore_mem>>) src(%dma_wait3A_10 : memref<10000xi32, #tpu.memory_space<hbm>>) dst(%arg8 : memref<10000xi32, #tpu.memory_space<vmem>>)
      tpu.yield
    }) : () -> ()
    %add3A_3 = arith.constant 320000 : i32
    %add3A_4 = arith.addi %add3A_3, %mul3A_2 : i32
    "tpu.region"() ({
      %run_scoped3A = tpu.sem_alloc : memref<!tpu.dma_semaphore, #tpu.memory_space<semaphore_mem>>
      %dma_start3A = tpu.memref_slice %arg3[%add3A_4] : memref<640000xi32, #tpu.memory_space<hbm>> -> memref<10000xi32, #tpu.memory_space<hbm>>
      %dma_start3A_9 = tpu.memref_slice %arg3[%add3A_4] : memref<640000xi32, #tpu.memory_space<hbm>> -> memref<10000xi32, #tpu.memory_space<hbm>>
      tpu.enqueue_dma source(%dma_start3A_9 : memref<10000xi32, #tpu.memory_space<hbm>>) target(%arg9 : memref<10000xi32, #tpu.memory_space<vmem>>) target_semaphore(%run_scoped3A : memref<!tpu.dma_semaphore, #tpu.memory_space<semaphore_mem>>)
      %dma_wait3A = tpu.memref_slice %arg3[%add3A_4] : memref<640000xi32, #tpu.memory_space<hbm>> -> memref<10000xi32, #tpu.memory_space<hbm>>
      %dma_wait3A_10 = tpu.memref_slice %arg3[%add3A_4] : memref<640000xi32, #tpu.memory_space<hbm>> -> memref<10000xi32, #tpu.memory_space<hbm>>
      tpu.wait_dma2 semaphore(%run_scoped3A : memref<!tpu.dma_semaphore, #tpu.memory_space<semaphore_mem>>) src(%dma_wait3A_10 : memref<10000xi32, #tpu.memory_space<hbm>>) dst(%arg9 : memref<10000xi32, #tpu.memory_space<vmem>>)
      tpu.yield
    }) : () -> ()
    %parallel_loop3A = arith.constant 0 : i32
    %parallel_loop3A_5 = arith.constant 625 : i32
    %parallel_loop3A_6 = arith.constant 1 : i32
    scf.for %parallel_loop3A_9 = %parallel_loop3A to %parallel_loop3A_5 step %parallel_loop3A_6  : i32 {
      %parallel_loop3A_10 = arith.constant 16 : i32
      %parallel_loop3A_11 = arith.muli %parallel_loop3A_9, %parallel_loop3A_10 : i32
      %parallel_loop3A_12 = arith.index_cast %parallel_loop3A_11 : i32 to index
      %parallel_loop3A_13 = tpu.vector_load %arg8[%parallel_loop3A_12] {strides = array<i32>} : memref<10000xi32, #tpu.memory_space<vmem>>, vector<16xi32>,
      %parallel_loop3A_14 = arith.constant 16 : i32
      %parallel_loop3A_15 = arith.muli %parallel_loop3A_9, %parallel_loop3A_14 : i32
      %parallel_loop3A_16 = arith.index_cast %parallel_loop3A_15 : i32 to index
      %parallel_loop3A_17 = tpu.vector_load %arg9[%parallel_loop3A_16] {strides = array<i32>} : memref<10000xi32, #tpu.memory_space<vmem>>, vector<16xi32>,
      %parallel_loop3A_18 = tpu.vector_load_idx %arg6[%parallel_loop3A_13] : memref<10240xf32, #tpu.memory_space<vmem>>[vector<16xi32>], vector<16xf32>,
      tpu.vector_store_idx %arg7[%parallel_loop3A_17], %parallel_loop3A_18 {add = true} : memref<10240xf32, #tpu.memory_space<vmem>>[vector<16xi32>], vector<16xf32>,
    } {sc.loop_unroll_factor = 8 : i64, sc.parallel_access}
    %mul3A_7 = arith.constant 10240 : i32
    %mul3A_8 = arith.muli %add3A, %mul3A_7 : i32
    "tpu.region"() ({
      %run_scoped3A = tpu.sem_alloc : memref<!tpu.dma_semaphore, #tpu.memory_space<semaphore_mem>>
      %dma_start3A = tpu.memref_slice %arg5[%mul3A_8] : memref<327680xf32, #tpu.memory_space<hbm>> -> memref<10240xf32, #tpu.memory_space<hbm>>
      %dma_start3A_9 = tpu.memref_slice %arg5[%mul3A_8] : memref<327680xf32, #tpu.memory_space<hbm>> -> memref<10240xf32, #tpu.memory_space<hbm>>
      tpu.enqueue_dma source(%arg7 : memref<10240xf32, #tpu.memory_space<vmem>>) target(%dma_start3A_9 : memref<10240xf32, #tpu.memory_space<hbm>>) target_semaphore(%run_scoped3A : memref<!tpu.dma_semaphore, #tpu.memory_space<semaphore_mem>>)
      %dma_wait3A = tpu.memref_slice %arg5[%mul3A_8] : memref<327680xf32, #tpu.memory_space<hbm>> -> memref<10240xf32, #tpu.memory_space<hbm>>
      %dma_wait3A_10 = tpu.memref_slice %arg5[%mul3A_8] : memref<327680xf32, #tpu.memory_space<hbm>> -> memref<10240xf32, #tpu.memory_space<hbm>>
      tpu.wait_dma2 semaphore(%run_scoped3A : memref<!tpu.dma_semaphore, #tpu.memory_space<semaphore_mem>>) src(%arg7 : memref<10240xf32, #tpu.memory_space<vmem>>) dst(%dma_wait3A_10 : memref<10240xf32, #tpu.memory_space<hbm>>)
      tpu.yield
    }) : () -> ()
    return
  }
}

#map = affine_map<(d0, d1) -> (0)>
module attributes {stable_mosaic.version = 14 : i64} {
  func.func @_edge1_body(%arg0: i32, %arg1: i32, %arg2: memref<163840xf32, #tpu.memory_space<hbm>>, %arg3: memref<640000xi32, #tpu.memory_space<hbm>>, %arg4: memref<10240xf32, #tpu.memory_space<hbm>>, %arg5: memref<1638400xf32, #tpu.memory_space<hbm>>, %arg6: memref<10240xf32, #tpu.memory_space<vmem>>, %arg7: memref<10240xf32, #tpu.memory_space<vmem>>, %arg8: memref<10240xf32, #tpu.memory_space<vmem>>, %arg9: memref<10240xf32, #tpu.memory_space<vmem>>, %arg10: memref<10240xf32, #tpu.memory_space<vmem>>, %arg11: memref<10240xf32, #tpu.memory_space<vmem>>, %arg12: memref<10240xf32, #tpu.memory_space<vmem>>, %arg13: memref<10240xf32, #tpu.memory_space<vmem>>, %arg14: memref<10240xf32, #tpu.memory_space<vmem>>, %arg15: memref<10240xf32, #tpu.memory_space<vmem>>, %arg16: memref<10000xi32, #tpu.memory_space<vmem>>, %arg17: memref<10000xi32, #tpu.memory_space<vmem>>) attributes {dimension_semantics = [#tpu.dimension_semantics<core_parallel>, #tpu.dimension_semantics<subcore_parallel>], iteration_bounds = array<i64: 2, 16>, scalar_prefetch = 0 : i64, scratch_operands = 12 : i64, tpu.core_type = #tpu.core_type<sc_vector_subcore>, window_params = [{transform_indices = #map}, {transform_indices = #map}, {transform_indices = #map}, {transform_indices = #map}]} {
    %mul3A = arith.constant 20000 : i32
    %mul3A_0 = arith.muli %arg1, %mul3A : i32
    %mul3A_1 = arith.constant 5 : i32
    %mul3A_2 = arith.muli %arg0, %mul3A_1 : i32
    %add3A = arith.constant 0 : i32
    %add3A_3 = arith.addi %mul3A_2, %add3A : i32
    %mul3A_4 = arith.constant 10240 : i32
    %mul3A_5 = arith.muli %add3A_3, %mul3A_4 : i32
    "tpu.region"() ({
      %run_scoped3A = tpu.sem_alloc : memref<!tpu.dma_semaphore, #tpu.memory_space<semaphore_mem>>
      %dma_start3A = tpu.memref_slice %arg2[%mul3A_5] : memref<163840xf32, #tpu.memory_space<hbm>> -> memref<10240xf32, #tpu.memory_space<hbm>>
      %dma_start3A_92 = tpu.memref_slice %arg2[%mul3A_5] : memref<163840xf32, #tpu.memory_space<hbm>> -> memref<10240xf32, #tpu.memory_space<hbm>>
      tpu.enqueue_dma source(%dma_start3A_92 : memref<10240xf32, #tpu.memory_space<hbm>>) target(%arg6 : memref<10240xf32, #tpu.memory_space<vmem>>) target_semaphore(%run_scoped3A : memref<!tpu.dma_semaphore, #tpu.memory_space<semaphore_mem>>)
      %dma_wait3A = tpu.memref_slice %arg2[%mul3A_5] : memref<163840xf32, #tpu.memory_space<hbm>> -> memref<10240xf32, #tpu.memory_space<hbm>>
      %dma_wait3A_93 = tpu.memref_slice %arg2[%mul3A_5] : memref<163840xf32, #tpu.memory_space<hbm>> -> memref<10240xf32, #tpu.memory_space<hbm>>
      tpu.wait_dma2 semaphore(%run_scoped3A : memref<!tpu.dma_semaphore, #tpu.memory_space<semaphore_mem>>) src(%dma_wait3A_93 : memref<10240xf32, #tpu.memory_space<hbm>>) dst(%arg6 : memref<10240xf32, #tpu.memory_space<vmem>>)
      tpu.yield
    }) : () -> ()
    "tpu.region"() ({
      %run_scoped3A = tpu.sem_alloc : memref<!tpu.dma_semaphore, #tpu.memory_space<semaphore_mem>>
      tpu.enqueue_dma source(%arg4 : memref<10240xf32, #tpu.memory_space<hbm>>) target(%arg11 : memref<10240xf32, #tpu.memory_space<vmem>>) target_semaphore(%run_scoped3A : memref<!tpu.dma_semaphore, #tpu.memory_space<semaphore_mem>>)
      tpu.wait_dma2 semaphore(%run_scoped3A : memref<!tpu.dma_semaphore, #tpu.memory_space<semaphore_mem>>) src(%arg4 : memref<10240xf32, #tpu.memory_space<hbm>>) dst(%arg11 : memref<10240xf32, #tpu.memory_space<vmem>>)
      tpu.yield
    }) : () -> ()
    %mul3A_6 = arith.constant 5 : i32
    %mul3A_7 = arith.muli %arg0, %mul3A_6 : i32
    %add3A_8 = arith.constant 1 : i32
    %add3A_9 = arith.addi %mul3A_7, %add3A_8 : i32
    %mul3A_10 = arith.constant 10240 : i32
    %mul3A_11 = arith.muli %add3A_9, %mul3A_10 : i32
    "tpu.region"() ({
      %run_scoped3A = tpu.sem_alloc : memref<!tpu.dma_semaphore, #tpu.memory_space<semaphore_mem>>
      %dma_start3A = tpu.memref_slice %arg2[%mul3A_11] : memref<163840xf32, #tpu.memory_space<hbm>> -> memref<10240xf32, #tpu.memory_space<hbm>>
      %dma_start3A_92 = tpu.memref_slice %arg2[%mul3A_11] : memref<163840xf32, #tpu.memory_space<hbm>> -> memref<10240xf32, #tpu.memory_space<hbm>>
      tpu.enqueue_dma source(%dma_start3A_92 : memref<10240xf32, #tpu.memory_space<hbm>>) target(%arg7 : memref<10240xf32, #tpu.memory_space<vmem>>) target_semaphore(%run_scoped3A : memref<!tpu.dma_semaphore, #tpu.memory_space<semaphore_mem>>)
      %dma_wait3A = tpu.memref_slice %arg2[%mul3A_11] : memref<163840xf32, #tpu.memory_space<hbm>> -> memref<10240xf32, #tpu.memory_space<hbm>>
      %dma_wait3A_93 = tpu.memref_slice %arg2[%mul3A_11] : memref<163840xf32, #tpu.memory_space<hbm>> -> memref<10240xf32, #tpu.memory_space<hbm>>
      tpu.wait_dma2 semaphore(%run_scoped3A : memref<!tpu.dma_semaphore, #tpu.memory_space<semaphore_mem>>) src(%dma_wait3A_93 : memref<10240xf32, #tpu.memory_space<hbm>>) dst(%arg7 : memref<10240xf32, #tpu.memory_space<vmem>>)
      tpu.yield
    }) : () -> ()
    "tpu.region"() ({
      %run_scoped3A = tpu.sem_alloc : memref<!tpu.dma_semaphore, #tpu.memory_space<semaphore_mem>>
      tpu.enqueue_dma source(%arg4 : memref<10240xf32, #tpu.memory_space<hbm>>) target(%arg12 : memref<10240xf32, #tpu.memory_space<vmem>>) target_semaphore(%run_scoped3A : memref<!tpu.dma_semaphore, #tpu.memory_space<semaphore_mem>>)
      tpu.wait_dma2 semaphore(%run_scoped3A : memref<!tpu.dma_semaphore, #tpu.memory_space<semaphore_mem>>) src(%arg4 : memref<10240xf32, #tpu.memory_space<hbm>>) dst(%arg12 : memref<10240xf32, #tpu.memory_space<vmem>>)
      tpu.yield
    }) : () -> ()
    %mul3A_12 = arith.constant 5 : i32
    %mul3A_13 = arith.muli %arg0, %mul3A_12 : i32
    %add3A_14 = arith.constant 2 : i32
    %add3A_15 = arith.addi %mul3A_13, %add3A_14 : i32
    %mul3A_16 = arith.constant 10240 : i32
    %mul3A_17 = arith.muli %add3A_15, %mul3A_16 : i32
    "tpu.region"() ({
      %run_scoped3A = tpu.sem_alloc : memref<!tpu.dma_semaphore, #tpu.memory_space<semaphore_mem>>
      %dma_start3A = tpu.memref_slice %arg2[%mul3A_17] : memref<163840xf32, #tpu.memory_space<hbm>> -> memref<10240xf32, #tpu.memory_space<hbm>>
      %dma_start3A_92 = tpu.memref_slice %arg2[%mul3A_17] : memref<163840xf32, #tpu.memory_space<hbm>> -> memref<10240xf32, #tpu.memory_space<hbm>>
      tpu.enqueue_dma source(%dma_start3A_92 : memref<10240xf32, #tpu.memory_space<hbm>>) target(%arg8 : memref<10240xf32, #tpu.memory_space<vmem>>) target_semaphore(%run_scoped3A : memref<!tpu.dma_semaphore, #tpu.memory_space<semaphore_mem>>)
      %dma_wait3A = tpu.memref_slice %arg2[%mul3A_17] : memref<163840xf32, #tpu.memory_space<hbm>> -> memref<10240xf32, #tpu.memory_space<hbm>>
      %dma_wait3A_93 = tpu.memref_slice %arg2[%mul3A_17] : memref<163840xf32, #tpu.memory_space<hbm>> -> memref<10240xf32, #tpu.memory_space<hbm>>
      tpu.wait_dma2 semaphore(%run_scoped3A : memref<!tpu.dma_semaphore, #tpu.memory_space<semaphore_mem>>) src(%dma_wait3A_93 : memref<10240xf32, #tpu.memory_space<hbm>>) dst(%arg8 : memref<10240xf32, #tpu.memory_space<vmem>>)
      tpu.yield
    }) : () -> ()
    "tpu.region"() ({
      %run_scoped3A = tpu.sem_alloc : memref<!tpu.dma_semaphore, #tpu.memory_space<semaphore_mem>>
      tpu.enqueue_dma source(%arg4 : memref<10240xf32, #tpu.memory_space<hbm>>) target(%arg13 : memref<10240xf32, #tpu.memory_space<vmem>>) target_semaphore(%run_scoped3A : memref<!tpu.dma_semaphore, #tpu.memory_space<semaphore_mem>>)
      tpu.wait_dma2 semaphore(%run_scoped3A : memref<!tpu.dma_semaphore, #tpu.memory_space<semaphore_mem>>) src(%arg4 : memref<10240xf32, #tpu.memory_space<hbm>>) dst(%arg13 : memref<10240xf32, #tpu.memory_space<vmem>>)
      tpu.yield
    }) : () -> ()
    %mul3A_18 = arith.constant 5 : i32
    %mul3A_19 = arith.muli %arg0, %mul3A_18 : i32
    %add3A_20 = arith.constant 3 : i32
    %add3A_21 = arith.addi %mul3A_19, %add3A_20 : i32
    %mul3A_22 = arith.constant 10240 : i32
    %mul3A_23 = arith.muli %add3A_21, %mul3A_22 : i32
    "tpu.region"() ({
      %run_scoped3A = tpu.sem_alloc : memref<!tpu.dma_semaphore, #tpu.memory_space<semaphore_mem>>
      %dma_start3A = tpu.memref_slice %arg2[%mul3A_23] : memref<163840xf32, #tpu.memory_space<hbm>> -> memref<10240xf32, #tpu.memory_space<hbm>>
      %dma_start3A_92 = tpu.memref_slice %arg2[%mul3A_23] : memref<163840xf32, #tpu.memory_space<hbm>> -> memref<10240xf32, #tpu.memory_space<hbm>>
      tpu.enqueue_dma source(%dma_start3A_92 : memref<10240xf32, #tpu.memory_space<hbm>>) target(%arg9 : memref<10240xf32, #tpu.memory_space<vmem>>) target_semaphore(%run_scoped3A : memref<!tpu.dma_semaphore, #tpu.memory_space<semaphore_mem>>)
      %dma_wait3A = tpu.memref_slice %arg2[%mul3A_23] : memref<163840xf32, #tpu.memory_space<hbm>> -> memref<10240xf32, #tpu.memory_space<hbm>>
      %dma_wait3A_93 = tpu.memref_slice %arg2[%mul3A_23] : memref<163840xf32, #tpu.memory_space<hbm>> -> memref<10240xf32, #tpu.memory_space<hbm>>
      tpu.wait_dma2 semaphore(%run_scoped3A : memref<!tpu.dma_semaphore, #tpu.memory_space<semaphore_mem>>) src(%dma_wait3A_93 : memref<10240xf32, #tpu.memory_space<hbm>>) dst(%arg9 : memref<10240xf32, #tpu.memory_space<vmem>>)
      tpu.yield
    }) : () -> ()
    "tpu.region"() ({
      %run_scoped3A = tpu.sem_alloc : memref<!tpu.dma_semaphore, #tpu.memory_space<semaphore_mem>>
      tpu.enqueue_dma source(%arg4 : memref<10240xf32, #tpu.memory_space<hbm>>) target(%arg14 : memref<10240xf32, #tpu.memory_space<vmem>>) target_semaphore(%run_scoped3A : memref<!tpu.dma_semaphore, #tpu.memory_space<semaphore_mem>>)
      tpu.wait_dma2 semaphore(%run_scoped3A : memref<!tpu.dma_semaphore, #tpu.memory_space<semaphore_mem>>) src(%arg4 : memref<10240xf32, #tpu.memory_space<hbm>>) dst(%arg14 : memref<10240xf32, #tpu.memory_space<vmem>>)
      tpu.yield
    }) : () -> ()
    %mul3A_24 = arith.constant 5 : i32
    %mul3A_25 = arith.muli %arg0, %mul3A_24 : i32
    %add3A_26 = arith.constant 4 : i32
    %add3A_27 = arith.addi %mul3A_25, %add3A_26 : i32
    %mul3A_28 = arith.constant 10240 : i32
    %mul3A_29 = arith.muli %add3A_27, %mul3A_28 : i32
    "tpu.region"() ({
      %run_scoped3A = tpu.sem_alloc : memref<!tpu.dma_semaphore, #tpu.memory_space<semaphore_mem>>
      %dma_start3A = tpu.memref_slice %arg2[%mul3A_29] : memref<163840xf32, #tpu.memory_space<hbm>> -> memref<10240xf32, #tpu.memory_space<hbm>>
      %dma_start3A_92 = tpu.memref_slice %arg2[%mul3A_29] : memref<163840xf32, #tpu.memory_space<hbm>> -> memref<10240xf32, #tpu.memory_space<hbm>>
      tpu.enqueue_dma source(%dma_start3A_92 : memref<10240xf32, #tpu.memory_space<hbm>>) target(%arg10 : memref<10240xf32, #tpu.memory_space<vmem>>) target_semaphore(%run_scoped3A : memref<!tpu.dma_semaphore, #tpu.memory_space<semaphore_mem>>)
      %dma_wait3A = tpu.memref_slice %arg2[%mul3A_29] : memref<163840xf32, #tpu.memory_space<hbm>> -> memref<10240xf32, #tpu.memory_space<hbm>>
      %dma_wait3A_93 = tpu.memref_slice %arg2[%mul3A_29] : memref<163840xf32, #tpu.memory_space<hbm>> -> memref<10240xf32, #tpu.memory_space<hbm>>
      tpu.wait_dma2 semaphore(%run_scoped3A : memref<!tpu.dma_semaphore, #tpu.memory_space<semaphore_mem>>) src(%dma_wait3A_93 : memref<10240xf32, #tpu.memory_space<hbm>>) dst(%arg10 : memref<10240xf32, #tpu.memory_space<vmem>>)
      tpu.yield
    }) : () -> ()
    "tpu.region"() ({
      %run_scoped3A = tpu.sem_alloc : memref<!tpu.dma_semaphore, #tpu.memory_space<semaphore_mem>>
      tpu.enqueue_dma source(%arg4 : memref<10240xf32, #tpu.memory_space<hbm>>) target(%arg15 : memref<10240xf32, #tpu.memory_space<vmem>>) target_semaphore(%run_scoped3A : memref<!tpu.dma_semaphore, #tpu.memory_space<semaphore_mem>>)
      tpu.wait_dma2 semaphore(%run_scoped3A : memref<!tpu.dma_semaphore, #tpu.memory_space<semaphore_mem>>) src(%arg4 : memref<10240xf32, #tpu.memory_space<hbm>>) dst(%arg15 : memref<10240xf32, #tpu.memory_space<vmem>>)
      tpu.yield
    }) : () -> ()
    %add3A_30 = arith.constant 0 : i32
    %add3A_31 = arith.addi %mul3A_0, %add3A_30 : i32
    "tpu.region"() ({
      %run_scoped3A = tpu.sem_alloc : memref<!tpu.dma_semaphore, #tpu.memory_space<semaphore_mem>>
      %dma_start3A = tpu.memref_slice %arg3[%add3A_31] : memref<640000xi32, #tpu.memory_space<hbm>> -> memref<10000xi32, #tpu.memory_space<hbm>>
      %dma_start3A_92 = tpu.memref_slice %arg3[%add3A_31] : memref<640000xi32, #tpu.memory_space<hbm>> -> memref<10000xi32, #tpu.memory_space<hbm>>
      tpu.enqueue_dma source(%dma_start3A_92 : memref<10000xi32, #tpu.memory_space<hbm>>) target(%arg16 : memref<10000xi32, #tpu.memory_space<vmem>>) target_semaphore(%run_scoped3A : memref<!tpu.dma_semaphore, #tpu.memory_space<semaphore_mem>>)
      %dma_wait3A = tpu.memref_slice %arg3[%add3A_31] : memref<640000xi32, #tpu.memory_space<hbm>> -> memref<10000xi32, #tpu.memory_space<hbm>>
      %dma_wait3A_93 = tpu.memref_slice %arg3[%add3A_31] : memref<640000xi32, #tpu.memory_space<hbm>> -> memref<10000xi32, #tpu.memory_space<hbm>>
      tpu.wait_dma2 semaphore(%run_scoped3A : memref<!tpu.dma_semaphore, #tpu.memory_space<semaphore_mem>>) src(%dma_wait3A_93 : memref<10000xi32, #tpu.memory_space<hbm>>) dst(%arg16 : memref<10000xi32, #tpu.memory_space<vmem>>)
      tpu.yield
    }) : () -> ()
    %add3A_32 = arith.constant 320000 : i32
    %add3A_33 = arith.addi %add3A_32, %mul3A_0 : i32
    %add3A_34 = arith.constant 0 : i32
    %add3A_35 = arith.addi %add3A_33, %add3A_34 : i32
    "tpu.region"() ({
      %run_scoped3A = tpu.sem_alloc : memref<!tpu.dma_semaphore, #tpu.memory_space<semaphore_mem>>
      %dma_start3A = tpu.memref_slice %arg3[%add3A_35] : memref<640000xi32, #tpu.memory_space<hbm>> -> memref<10000xi32, #tpu.memory_space<hbm>>
      %dma_start3A_92 = tpu.memref_slice %arg3[%add3A_35] : memref<640000xi32, #tpu.memory_space<hbm>> -> memref<10000xi32, #tpu.memory_space<hbm>>
      tpu.enqueue_dma source(%dma_start3A_92 : memref<10000xi32, #tpu.memory_space<hbm>>) target(%arg17 : memref<10000xi32, #tpu.memory_space<vmem>>) target_semaphore(%run_scoped3A : memref<!tpu.dma_semaphore, #tpu.memory_space<semaphore_mem>>)
      %dma_wait3A = tpu.memref_slice %arg3[%add3A_35] : memref<640000xi32, #tpu.memory_space<hbm>> -> memref<10000xi32, #tpu.memory_space<hbm>>
      %dma_wait3A_93 = tpu.memref_slice %arg3[%add3A_35] : memref<640000xi32, #tpu.memory_space<hbm>> -> memref<10000xi32, #tpu.memory_space<hbm>>
      tpu.wait_dma2 semaphore(%run_scoped3A : memref<!tpu.dma_semaphore, #tpu.memory_space<semaphore_mem>>) src(%dma_wait3A_93 : memref<10000xi32, #tpu.memory_space<hbm>>) dst(%arg17 : memref<10000xi32, #tpu.memory_space<vmem>>)
      tpu.yield
    }) : () -> ()
    %parallel_loop3A = arith.constant 0 : i32
    %parallel_loop3A_36 = arith.constant 625 : i32
    %parallel_loop3A_37 = arith.constant 1 : i32
    scf.for %parallel_loop3A_92 = %parallel_loop3A to %parallel_loop3A_36 step %parallel_loop3A_37  : i32 {
      %parallel_loop3A_93 = arith.constant 16 : i32
      %parallel_loop3A_94 = arith.muli %parallel_loop3A_92, %parallel_loop3A_93 : i32
      %parallel_loop3A_95 = arith.index_cast %parallel_loop3A_94 : i32 to index
      %parallel_loop3A_96 = tpu.vector_load %arg16[%parallel_loop3A_95] {strides = array<i32>} : memref<10000xi32, #tpu.memory_space<vmem>>, vector<16xi32>,
      %parallel_loop3A_97 = arith.constant 16 : i32
      %parallel_loop3A_98 = arith.muli %parallel_loop3A_92, %parallel_loop3A_97 : i32
      %parallel_loop3A_99 = arith.index_cast %parallel_loop3A_98 : i32 to index
      %parallel_loop3A_100 = tpu.vector_load %arg17[%parallel_loop3A_99] {strides = array<i32>} : memref<10000xi32, #tpu.memory_space<vmem>>, vector<16xi32>,
      %parallel_loop3A_101 = tpu.vector_load_idx %arg6[%parallel_loop3A_96] : memref<10240xf32, #tpu.memory_space<vmem>>[vector<16xi32>], vector<16xf32>,
      tpu.vector_store_idx %arg11[%parallel_loop3A_100], %parallel_loop3A_101 {add = true} : memref<10240xf32, #tpu.memory_space<vmem>>[vector<16xi32>], vector<16xf32>,
      %parallel_loop3A_102 = tpu.vector_load_idx %arg7[%parallel_loop3A_96] : memref<10240xf32, #tpu.memory_space<vmem>>[vector<16xi32>], vector<16xf32>,
      tpu.vector_store_idx %arg12[%parallel_loop3A_100], %parallel_loop3A_102 {add = true} : memref<10240xf32, #tpu.memory_space<vmem>>[vector<16xi32>], vector<16xf32>,
      %parallel_loop3A_103 = tpu.vector_load_idx %arg8[%parallel_loop3A_96] : memref<10240xf32, #tpu.memory_space<vmem>>[vector<16xi32>], vector<16xf32>,
      tpu.vector_store_idx %arg13[%parallel_loop3A_100], %parallel_loop3A_103 {add = true} : memref<10240xf32, #tpu.memory_space<vmem>>[vector<16xi32>], vector<16xf32>,
      %parallel_loop3A_104 = tpu.vector_load_idx %arg9[%parallel_loop3A_96] : memref<10240xf32, #tpu.memory_space<vmem>>[vector<16xi32>], vector<16xf32>,
      tpu.vector_store_idx %arg14[%parallel_loop3A_100], %parallel_loop3A_104 {add = true} : memref<10240xf32, #tpu.memory_space<vmem>>[vector<16xi32>], vector<16xf32>,
      %parallel_loop3A_105 = tpu.vector_load_idx %arg10[%parallel_loop3A_96] : memref<10240xf32, #tpu.memory_space<vmem>>[vector<16xi32>], vector<16xf32>,
      tpu.vector_store_idx %arg15[%parallel_loop3A_100], %parallel_loop3A_105 {add = true} : memref<10240xf32, #tpu.memory_space<vmem>>[vector<16xi32>], vector<16xf32>,
    } {sc.loop_unroll_factor = 8 : i64, sc.parallel_access}
    %add3A_38 = arith.constant 10000 : i32
    %add3A_39 = arith.addi %mul3A_0, %add3A_38 : i32
    "tpu.region"() ({
      %run_scoped3A = tpu.sem_alloc : memref<!tpu.dma_semaphore, #tpu.memory_space<semaphore_mem>>
      %dma_start3A = tpu.memref_slice %arg3[%add3A_39] : memref<640000xi32, #tpu.memory_space<hbm>> -> memref<10000xi32, #tpu.memory_space<hbm>>
      %dma_start3A_92 = tpu.memref_slice %arg3[%add3A_39] : memref<640000xi32, #tpu.memory_space<hbm>> -> memref<10000xi32, #tpu.memory_space<hbm>>
      tpu.enqueue_dma source(%dma_start3A_92 : memref<10000xi32, #tpu.memory_space<hbm>>) target(%arg16 : memref<10000xi32, #tpu.memory_space<vmem>>) target_semaphore(%run_scoped3A : memref<!tpu.dma_semaphore, #tpu.memory_space<semaphore_mem>>)
      %dma_wait3A = tpu.memref_slice %arg3[%add3A_39] : memref<640000xi32, #tpu.memory_space<hbm>> -> memref<10000xi32, #tpu.memory_space<hbm>>
      %dma_wait3A_93 = tpu.memref_slice %arg3[%add3A_39] : memref<640000xi32, #tpu.memory_space<hbm>> -> memref<10000xi32, #tpu.memory_space<hbm>>
      tpu.wait_dma2 semaphore(%run_scoped3A : memref<!tpu.dma_semaphore, #tpu.memory_space<semaphore_mem>>) src(%dma_wait3A_93 : memref<10000xi32, #tpu.memory_space<hbm>>) dst(%arg16 : memref<10000xi32, #tpu.memory_space<vmem>>)
      tpu.yield
    }) : () -> ()
    %add3A_40 = arith.constant 320000 : i32
    %add3A_41 = arith.addi %add3A_40, %mul3A_0 : i32
    %add3A_42 = arith.constant 10000 : i32
    %add3A_43 = arith.addi %add3A_41, %add3A_42 : i32
    "tpu.region"() ({
      %run_scoped3A = tpu.sem_alloc : memref<!tpu.dma_semaphore, #tpu.memory_space<semaphore_mem>>
      %dma_start3A = tpu.memref_slice %arg3[%add3A_43] : memref<640000xi32, #tpu.memory_space<hbm>> -> memref<10000xi32, #tpu.memory_space<hbm>>
      %dma_start3A_92 = tpu.memref_slice %arg3[%add3A_43] : memref<640000xi32, #tpu.memory_space<hbm>> -> memref<10000xi32, #tpu.memory_space<hbm>>
      tpu.enqueue_dma source(%dma_start3A_92 : memref<10000xi32, #tpu.memory_space<hbm>>) target(%arg17 : memref<10000xi32, #tpu.memory_space<vmem>>) target_semaphore(%run_scoped3A : memref<!tpu.dma_semaphore, #tpu.memory_space<semaphore_mem>>)
      %dma_wait3A = tpu.memref_slice %arg3[%add3A_43] : memref<640000xi32, #tpu.memory_space<hbm>> -> memref<10000xi32, #tpu.memory_space<hbm>>
      %dma_wait3A_93 = tpu.memref_slice %arg3[%add3A_43] : memref<640000xi32, #tpu.memory_space<hbm>> -> memref<10000xi32, #tpu.memory_space<hbm>>
      tpu.wait_dma2 semaphore(%run_scoped3A : memref<!tpu.dma_semaphore, #tpu.memory_space<semaphore_mem>>) src(%dma_wait3A_93 : memref<10000xi32, #tpu.memory_space<hbm>>) dst(%arg17 : memref<10000xi32, #tpu.memory_space<vmem>>)
      tpu.yield
    }) : () -> ()
    %parallel_loop3A_44 = arith.constant 0 : i32
    %parallel_loop3A_45 = arith.constant 625 : i32
    %parallel_loop3A_46 = arith.constant 1 : i32
    scf.for %parallel_loop3A_92 = %parallel_loop3A_44 to %parallel_loop3A_45 step %parallel_loop3A_46  : i32 {
      %parallel_loop3A_93 = arith.constant 16 : i32
      %parallel_loop3A_94 = arith.muli %parallel_loop3A_92, %parallel_loop3A_93 : i32
      %parallel_loop3A_95 = arith.index_cast %parallel_loop3A_94 : i32 to index
      %parallel_loop3A_96 = tpu.vector_load %arg16[%parallel_loop3A_95] {strides = array<i32>} : memref<10000xi32, #tpu.memory_space<vmem>>, vector<16xi32>,
      %parallel_loop3A_97 = arith.constant 16 : i32
      %parallel_loop3A_98 = arith.muli %parallel_loop3A_92, %parallel_loop3A_97 : i32
      %parallel_loop3A_99 = arith.index_cast %parallel_loop3A_98 : i32 to index
      %parallel_loop3A_100 = tpu.vector_load %arg17[%parallel_loop3A_99] {strides = array<i32>} : memref<10000xi32, #tpu.memory_space<vmem>>, vector<16xi32>,
      %parallel_loop3A_101 = tpu.vector_load_idx %arg6[%parallel_loop3A_96] : memref<10240xf32, #tpu.memory_space<vmem>>[vector<16xi32>], vector<16xf32>,
      tpu.vector_store_idx %arg11[%parallel_loop3A_100], %parallel_loop3A_101 {add = true} : memref<10240xf32, #tpu.memory_space<vmem>>[vector<16xi32>], vector<16xf32>,
      %parallel_loop3A_102 = tpu.vector_load_idx %arg7[%parallel_loop3A_96] : memref<10240xf32, #tpu.memory_space<vmem>>[vector<16xi32>], vector<16xf32>,
      tpu.vector_store_idx %arg12[%parallel_loop3A_100], %parallel_loop3A_102 {add = true} : memref<10240xf32, #tpu.memory_space<vmem>>[vector<16xi32>], vector<16xf32>,
      %parallel_loop3A_103 = tpu.vector_load_idx %arg8[%parallel_loop3A_96] : memref<10240xf32, #tpu.memory_space<vmem>>[vector<16xi32>], vector<16xf32>,
      tpu.vector_store_idx %arg13[%parallel_loop3A_100], %parallel_loop3A_103 {add = true} : memref<10240xf32, #tpu.memory_space<vmem>>[vector<16xi32>], vector<16xf32>,
      %parallel_loop3A_104 = tpu.vector_load_idx %arg9[%parallel_loop3A_96] : memref<10240xf32, #tpu.memory_space<vmem>>[vector<16xi32>], vector<16xf32>,
      tpu.vector_store_idx %arg14[%parallel_loop3A_100], %parallel_loop3A_104 {add = true} : memref<10240xf32, #tpu.memory_space<vmem>>[vector<16xi32>], vector<16xf32>,
      %parallel_loop3A_105 = tpu.vector_load_idx %arg10[%parallel_loop3A_96] : memref<10240xf32, #tpu.memory_space<vmem>>[vector<16xi32>], vector<16xf32>,
      tpu.vector_store_idx %arg15[%parallel_loop3A_100], %parallel_loop3A_105 {add = true} : memref<10240xf32, #tpu.memory_space<vmem>>[vector<16xi32>], vector<16xf32>,
    } {sc.loop_unroll_factor = 8 : i64, sc.parallel_access}
    %mul3A_47 = arith.constant 10 : i32
    %mul3A_48 = arith.muli %arg1, %mul3A_47 : i32
    %mul3A_49 = arith.constant 5 : i32
    %mul3A_50 = arith.muli %arg0, %mul3A_49 : i32
    %add3A_51 = arith.addi %mul3A_48, %mul3A_50 : i32
    %add3A_52 = arith.constant 0 : i32
    %add3A_53 = arith.addi %add3A_51, %add3A_52 : i32
    %mul3A_54 = arith.constant 10240 : i32
    %mul3A_55 = arith.muli %add3A_53, %mul3A_54 : i32
    "tpu.region"() ({
      %run_scoped3A = tpu.sem_alloc : memref<!tpu.dma_semaphore, #tpu.memory_space<semaphore_mem>>
      %dma_start3A = tpu.memref_slice %arg5[%mul3A_55] : memref<1638400xf32, #tpu.memory_space<hbm>> -> memref<10240xf32, #tpu.memory_space<hbm>>
      %dma_start3A_92 = tpu.memref_slice %arg5[%mul3A_55] : memref<1638400xf32, #tpu.memory_space<hbm>> -> memref<10240xf32, #tpu.memory_space<hbm>>
      tpu.enqueue_dma source(%arg11 : memref<10240xf32, #tpu.memory_space<vmem>>) target(%dma_start3A_92 : memref<10240xf32, #tpu.memory_space<hbm>>) target_semaphore(%run_scoped3A : memref<!tpu.dma_semaphore, #tpu.memory_space<semaphore_mem>>)
      %dma_wait3A = tpu.memref_slice %arg5[%mul3A_55] : memref<1638400xf32, #tpu.memory_space<hbm>> -> memref<10240xf32, #tpu.memory_space<hbm>>
      %dma_wait3A_93 = tpu.memref_slice %arg5[%mul3A_55] : memref<1638400xf32, #tpu.memory_space<hbm>> -> memref<10240xf32, #tpu.memory_space<hbm>>
      tpu.wait_dma2 semaphore(%run_scoped3A : memref<!tpu.dma_semaphore, #tpu.memory_space<semaphore_mem>>) src(%arg11 : memref<10240xf32, #tpu.memory_space<vmem>>) dst(%dma_wait3A_93 : memref<10240xf32, #tpu.memory_space<hbm>>)
      tpu.yield
    }) : () -> ()
    %mul3A_56 = arith.constant 10 : i32
    %mul3A_57 = arith.muli %arg1, %mul3A_56 : i32
    %mul3A_58 = arith.constant 5 : i32
    %mul3A_59 = arith.muli %arg0, %mul3A_58 : i32
    %add3A_60 = arith.addi %mul3A_57, %mul3A_59 : i32
    %add3A_61 = arith.constant 1 : i32
    %add3A_62 = arith.addi %add3A_60, %add3A_61 : i32
    %mul3A_63 = arith.constant 10240 : i32
    %mul3A_64 = arith.muli %add3A_62, %mul3A_63 : i32
    "tpu.region"() ({
      %run_scoped3A = tpu.sem_alloc : memref<!tpu.dma_semaphore, #tpu.memory_space<semaphore_mem>>
      %dma_start3A = tpu.memref_slice %arg5[%mul3A_64] : memref<1638400xf32, #tpu.memory_space<hbm>> -> memref<10240xf32, #tpu.memory_space<hbm>>
      %dma_start3A_92 = tpu.memref_slice %arg5[%mul3A_64] : memref<1638400xf32, #tpu.memory_space<hbm>> -> memref<10240xf32, #tpu.memory_space<hbm>>
      tpu.enqueue_dma source(%arg12 : memref<10240xf32, #tpu.memory_space<vmem>>) target(%dma_start3A_92 : memref<10240xf32, #tpu.memory_space<hbm>>) target_semaphore(%run_scoped3A : memref<!tpu.dma_semaphore, #tpu.memory_space<semaphore_mem>>)
      %dma_wait3A = tpu.memref_slice %arg5[%mul3A_64] : memref<1638400xf32, #tpu.memory_space<hbm>> -> memref<10240xf32, #tpu.memory_space<hbm>>
      %dma_wait3A_93 = tpu.memref_slice %arg5[%mul3A_64] : memref<1638400xf32, #tpu.memory_space<hbm>> -> memref<10240xf32, #tpu.memory_space<hbm>>
      tpu.wait_dma2 semaphore(%run_scoped3A : memref<!tpu.dma_semaphore, #tpu.memory_space<semaphore_mem>>) src(%arg12 : memref<10240xf32, #tpu.memory_space<vmem>>) dst(%dma_wait3A_93 : memref<10240xf32, #tpu.memory_space<hbm>>)
      tpu.yield
    }) : () -> ()
    %mul3A_65 = arith.constant 10 : i32
    %mul3A_66 = arith.muli %arg1, %mul3A_65 : i32
    %mul3A_67 = arith.constant 5 : i32
    %mul3A_68 = arith.muli %arg0, %mul3A_67 : i32
    %add3A_69 = arith.addi %mul3A_66, %mul3A_68 : i32
    %add3A_70 = arith.constant 2 : i32
    %add3A_71 = arith.addi %add3A_69, %add3A_70 : i32
    %mul3A_72 = arith.constant 10240 : i32
    %mul3A_73 = arith.muli %add3A_71, %mul3A_72 : i32
    "tpu.region"() ({
      %run_scoped3A = tpu.sem_alloc : memref<!tpu.dma_semaphore, #tpu.memory_space<semaphore_mem>>
      %dma_start3A = tpu.memref_slice %arg5[%mul3A_73] : memref<1638400xf32, #tpu.memory_space<hbm>> -> memref<10240xf32, #tpu.memory_space<hbm>>
      %dma_start3A_92 = tpu.memref_slice %arg5[%mul3A_73] : memref<1638400xf32, #tpu.memory_space<hbm>> -> memref<10240xf32, #tpu.memory_space<hbm>>
      tpu.enqueue_dma source(%arg13 : memref<10240xf32, #tpu.memory_space<vmem>>) target(%dma_start3A_92 : memref<10240xf32, #tpu.memory_space<hbm>>) target_semaphore(%run_scoped3A : memref<!tpu.dma_semaphore, #tpu.memory_space<semaphore_mem>>)
      %dma_wait3A = tpu.memref_slice %arg5[%mul3A_73] : memref<1638400xf32, #tpu.memory_space<hbm>> -> memref<10240xf32, #tpu.memory_space<hbm>>
      %dma_wait3A_93 = tpu.memref_slice %arg5[%mul3A_73] : memref<1638400xf32, #tpu.memory_space<hbm>> -> memref<10240xf32, #tpu.memory_space<hbm>>
      tpu.wait_dma2 semaphore(%run_scoped3A : memref<!tpu.dma_semaphore, #tpu.memory_space<semaphore_mem>>) src(%arg13 : memref<10240xf32, #tpu.memory_space<vmem>>) dst(%dma_wait3A_93 : memref<10240xf32, #tpu.memory_space<hbm>>)
      tpu.yield
    }) : () -> ()
    %mul3A_74 = arith.constant 10 : i32
    %mul3A_75 = arith.muli %arg1, %mul3A_74 : i32
    %mul3A_76 = arith.constant 5 : i32
    %mul3A_77 = arith.muli %arg0, %mul3A_76 : i32
    %add3A_78 = arith.addi %mul3A_75, %mul3A_77 : i32
    %add3A_79 = arith.constant 3 : i32
    %add3A_80 = arith.addi %add3A_78, %add3A_79 : i32
    %mul3A_81 = arith.constant 10240 : i32
    %mul3A_82 = arith.muli %add3A_80, %mul3A_81 : i32
    "tpu.region"() ({
      %run_scoped3A = tpu.sem_alloc : memref<!tpu.dma_semaphore, #tpu.memory_space<semaphore_mem>>
      %dma_start3A = tpu.memref_slice %arg5[%mul3A_82] : memref<1638400xf32, #tpu.memory_space<hbm>> -> memref<10240xf32, #tpu.memory_space<hbm>>
      %dma_start3A_92 = tpu.memref_slice %arg5[%mul3A_82] : memref<1638400xf32, #tpu.memory_space<hbm>> -> memref<10240xf32, #tpu.memory_space<hbm>>
      tpu.enqueue_dma source(%arg14 : memref<10240xf32, #tpu.memory_space<vmem>>) target(%dma_start3A_92 : memref<10240xf32, #tpu.memory_space<hbm>>) target_semaphore(%run_scoped3A : memref<!tpu.dma_semaphore, #tpu.memory_space<semaphore_mem>>)
      %dma_wait3A = tpu.memref_slice %arg5[%mul3A_82] : memref<1638400xf32, #tpu.memory_space<hbm>> -> memref<10240xf32, #tpu.memory_space<hbm>>
      %dma_wait3A_93 = tpu.memref_slice %arg5[%mul3A_82] : memref<1638400xf32, #tpu.memory_space<hbm>> -> memref<10240xf32, #tpu.memory_space<hbm>>
      tpu.wait_dma2 semaphore(%run_scoped3A : memref<!tpu.dma_semaphore, #tpu.memory_space<semaphore_mem>>) src(%arg14 : memref<10240xf32, #tpu.memory_space<vmem>>) dst(%dma_wait3A_93 : memref<10240xf32, #tpu.memory_space<hbm>>)
      tpu.yield
    }) : () -> ()
    %mul3A_83 = arith.constant 10 : i32
    %mul3A_84 = arith.muli %arg1, %mul3A_83 : i32
    %mul3A_85 = arith.constant 5 : i32
    %mul3A_86 = arith.muli %arg0, %mul3A_85 : i32
    %add3A_87 = arith.addi %mul3A_84, %mul3A_86 : i32
    %add3A_88 = arith.constant 4 : i32
    %add3A_89 = arith.addi %add3A_87, %add3A_88 : i32
    %mul3A_90 = arith.constant 10240 : i32
    %mul3A_91 = arith.muli %add3A_89, %mul3A_90 : i32
    "tpu.region"() ({
      %run_scoped3A = tpu.sem_alloc : memref<!tpu.dma_semaphore, #tpu.memory_space<semaphore_mem>>
      %dma_start3A = tpu.memref_slice %arg5[%mul3A_91] : memref<1638400xf32, #tpu.memory_space<hbm>> -> memref<10240xf32, #tpu.memory_space<hbm>>
      %dma_start3A_92 = tpu.memref_slice %arg5[%mul3A_91] : memref<1638400xf32, #tpu.memory_space<hbm>> -> memref<10240xf32, #tpu.memory_space<hbm>>
      tpu.enqueue_dma source(%arg15 : memref<10240xf32, #tpu.memory_space<vmem>>) target(%dma_start3A_92 : memref<10240xf32, #tpu.memory_space<hbm>>) target_semaphore(%run_scoped3A : memref<!tpu.dma_semaphore, #tpu.memory_space<semaphore_mem>>)
      %dma_wait3A = tpu.memref_slice %arg5[%mul3A_91] : memref<1638400xf32, #tpu.memory_space<hbm>> -> memref<10240xf32, #tpu.memory_space<hbm>>
      %dma_wait3A_93 = tpu.memref_slice %arg5[%mul3A_91] : memref<1638400xf32, #tpu.memory_space<hbm>> -> memref<10240xf32, #tpu.memory_space<hbm>>
      tpu.wait_dma2 semaphore(%run_scoped3A : memref<!tpu.dma_semaphore, #tpu.memory_space<semaphore_mem>>) src(%arg15 : memref<10240xf32, #tpu.memory_space<vmem>>) dst(%dma_wait3A_93 : memref<10240xf32, #tpu.memory_space<hbm>>)
      tpu.yield
    }) : () -> ()
    return
  }
}

module attributes {stable_mosaic.version = 14 : i64} {
  func.func @_mm1a_body(%arg0: memref<10000x128xf32, #tpu.memory_space<vmem>>, %arg1: memref<128x16xf32, #tpu.memory_space<vmem>>, %arg2: memref<16x10240xf32, #tpu.memory_space<vmem>>) attributes {dimension_semantics = [], scalar_prefetch = 0 : i64, scratch_operands = 0 : i64, tpu.core_type = #tpu.core_type<tc>} {
    %get3A = arith.constant 0 : index
    %get3A_0 = arith.constant 0 : index
    %get3A_1 = vector.load %arg0[%get3A, %get3A_0] : memref<10000x128xf32, #tpu.memory_space<vmem>>, vector<10000x128xf32>
    %get3A_2 = arith.constant 0 : index
    %get3A_3 = arith.constant 0 : index
    %get3A_4 = vector.load %arg1[%get3A_2, %get3A_3] : memref<128x16xf32, #tpu.memory_space<vmem>>, vector<128x16xf32>
    %dot_general3A = arith.constant dense<0.000000e+00> : vector<10000x16xf32>
    %dot_general3A_5 = tpu.matmul %get3A_1, %get3A_4, %dot_general3A {dimension_numbers = #tpu.dot_dimension_numbers<[1], [0], [0], [1], [0, 0, 1, 1], [], []>, transpose_lhs_hint = false} : vector<10000x128xf32>, vector<128x16xf32>, vector<10000x16xf32> -> vector<10000x16xf32>
    %transpose3A = tpu.transpose %dot_general3A_5, [1, 0] : vector<10000x16xf32> -> vector<16x10000xf32>
    %broadcast_in_dim3A = arith.constant 0.000000e+00 : f32
    %broadcast_in_dim3A_6 = vector.broadcast %broadcast_in_dim3A : f32 to vector<16x240xf32>
    %concatenate3A = tpu.concatenate %transpose3A, %broadcast_in_dim3A_6 in 1 : vector<16x10000xf32>, vector<16x240xf32> -> vector<16x10240xf32>
    %swap3A = arith.constant 0 : index
    %swap3A_7 = arith.constant 0 : index
    %swap3A_8 = vector.load %arg2[%swap3A, %swap3A_7] : memref<16x10240xf32, #tpu.memory_space<vmem>>, vector<16x10240xf32>
    tpu.vector_store %arg2[%swap3A, %swap3A_7], %concatenate3A {strides = array<i32>} : memref<16x10240xf32, #tpu.memory_space<vmem>>, vector<16x10240xf32>,
    return
  }
}

module attributes {stable_mosaic.version = 14 : i64} {
  func.func @_mm1b_body(%arg0: memref<327680xf32, #tpu.memory_space<vmem>>, %arg1: memref<16x10240xf32, #tpu.memory_space<vmem>>, %arg2: memref<163840xf32, #tpu.memory_space<vmem>>, %arg3: memref<1x10240xf32, #tpu.memory_space<vmem>>) attributes {dimension_semantics = [], scalar_prefetch = 0 : i64, scratch_operands = 0 : i64, tpu.core_type = #tpu.core_type<tc>} {
    %get3A = arith.constant 0 : index
    %get3A_0 = vector.load %arg0[%get3A] : memref<327680xf32, #tpu.memory_space<vmem>>, vector<327680xf32>
    %reshape3A = vector.shape_cast %get3A_0 : vector<327680xf32> to vector<32x10240xf32>
    %reduce_sum3A = arith.constant dense<0.000000e+00> : vector<10240xf32>
    %reduce_sum3A_1 = vector.multi_reduction <add>, %reshape3A, %reduce_sum3A [0] : vector<32x10240xf32> to vector<10240xf32>
    %broadcast_in_dim3A = vector.shape_cast %reduce_sum3A_1 : vector<10240xf32> to vector<1x10240xf32>
    %add3A = arith.constant 1.000000e+00 : f32
    %add3A_2 = vector.broadcast %add3A : f32 to vector<1x10240xf32>
    %add3A_3 = arith.addf %broadcast_in_dim3A, %add3A_2 : vector<1x10240xf32>
    %rsqrt3A = math.rsqrt %add3A_3 : vector<1x10240xf32>
    %get3A_4 = arith.constant 0 : index
    %get3A_5 = arith.constant 0 : index
    %get3A_6 = vector.load %arg1[%get3A_4, %get3A_5] : memref<16x10240xf32, #tpu.memory_space<vmem>>, vector<16x10240xf32>
    %mul3A = vector.broadcast %rsqrt3A : vector<1x10240xf32> to vector<16x10240xf32>
    %mul3A_7 = arith.mulf %get3A_6, %mul3A : vector<16x10240xf32>
    %reshape3A_8 = vector.shape_cast %mul3A_7 : vector<16x10240xf32> to vector<163840xf32>
    %swap3A = arith.constant 0 : index
    %swap3A_9 = vector.load %arg2[%swap3A] : memref<163840xf32, #tpu.memory_space<vmem>>, vector<163840xf32>
    tpu.vector_store %arg2[%swap3A], %reshape3A_8 {strides = array<i32>} : memref<163840xf32, #tpu.memory_space<vmem>>, vector<163840xf32>,
    %swap3A_10 = arith.constant 0 : index
    %swap3A_11 = arith.constant 0 : index
    %swap3A_12 = vector.load %arg3[%swap3A_10, %swap3A_11] : memref<1x10240xf32, #tpu.memory_space<vmem>>, vector<1x10240xf32>
    tpu.vector_store %arg3[%swap3A_10, %swap3A_11], %rsqrt3A {strides = array<i32>} : memref<1x10240xf32, #tpu.memory_space<vmem>>, vector<1x10240xf32>,
    return
  }
}

module attributes {stable_mosaic.version = 14 : i64} {
  func.func @_mm2_body(%arg0: memref<1638400xf32, #tpu.memory_space<vmem>>, %arg1: memref<16x10240xf32, #tpu.memory_space<vmem>>, %arg2: memref<1x10240xf32, #tpu.memory_space<vmem>>, %arg3: memref<10x1xf32, #tpu.memory_space<vmem>>, %arg4: memref<1x10xf32, #tpu.memory_space<vmem>>, %arg5: memref<1x10240xf32, #tpu.memory_space<vmem>>, %arg6: memref<10240xf32, #tpu.memory_space<vmem>>) attributes {dimension_semantics = [], scalar_prefetch = 0 : i64, scratch_operands = 0 : i64, tpu.core_type = #tpu.core_type<tc>} {
    %get3A = arith.constant 0 : index
    %get3A_0 = vector.load %arg0[%get3A] : memref<1638400xf32, #tpu.memory_space<vmem>>, vector<1638400xf32>
    %reshape3A = vector.shape_cast %get3A_0 : vector<1638400xf32> to vector<16x10x10240xf32>
    %reduce_sum3A = arith.constant dense<0.000000e+00> : vector<10x10240xf32>
    %reduce_sum3A_1 = vector.multi_reduction <add>, %reshape3A, %reduce_sum3A [0] : vector<16x10x10240xf32> to vector<10x10240xf32>
    %get3A_2 = arith.constant 0 : index
    %get3A_3 = arith.constant 0 : index
    %get3A_4 = vector.load %arg2[%get3A_2, %get3A_3] : memref<1x10240xf32, #tpu.memory_space<vmem>>, vector<1x10240xf32>
    %get3A_5 = arith.constant 0 : index
    %get3A_6 = arith.constant 0 : index
    %get3A_7 = vector.load %arg1[%get3A_5, %get3A_6] : memref<16x10240xf32, #tpu.memory_space<vmem>>, vector<16x10240xf32>
    %slice3A = vector.extract_strided_slice %get3A_7 {offsets = [0, 0], sizes = [10, 10240], strides = [1, 1]} : vector<16x10240xf32> to vector<10x10240xf32>
    %mul3A = vector.broadcast %get3A_4 : vector<1x10240xf32> to vector<10x10240xf32>
    %mul3A_8 = arith.mulf %reduce_sum3A_1, %mul3A : vector<10x10240xf32>
    %mul3A_9 = arith.mulf %get3A_4, %get3A_4 : vector<1x10240xf32>
    %mul3A_10 = vector.broadcast %mul3A_9 : vector<1x10240xf32> to vector<10x10240xf32>
    %mul3A_11 = arith.mulf %mul3A_10, %slice3A : vector<10x10240xf32>
    %add3A = arith.addf %mul3A_8, %mul3A_11 : vector<10x10240xf32>
    %get3A_12 = arith.constant 0 : index
    %get3A_13 = arith.constant 0 : index
    %get3A_14 = vector.load %arg3[%get3A_12, %get3A_13] : memref<10x1xf32, #tpu.memory_space<vmem>>, vector<10x1xf32>
    %add3A_15 = vector.broadcast %get3A_14 : vector<10x1xf32> to vector<10x10240xf32>
    %add3A_16 = arith.addf %add3A, %add3A_15 : vector<10x10240xf32>
    %max3A = arith.constant 0.000000e+00 : f32
    %max3A_17 = vector.broadcast %max3A : f32 to vector<10x10240xf32>
    %max3A_18 = arith.maximumf %add3A_16, %max3A_17 : vector<10x10240xf32>
    %get3A_19 = arith.constant 0 : index
    %get3A_20 = arith.constant 0 : index
    %get3A_21 = vector.load %arg4[%get3A_19, %get3A_20] : memref<1x10xf32, #tpu.memory_space<vmem>>, vector<1x10xf32>
    %dot_general3A = arith.constant dense<0.000000e+00> : vector<1x10240xf32>
    %dot_general3A_22 = tpu.matmul %get3A_21, %max3A_18, %dot_general3A {dimension_numbers = #tpu.dot_dimension_numbers<[1], [0], [0], [1], [0, 0, 1, 1], [], []>, transpose_lhs_hint = false} : vector<1x10xf32>, vector<10x10240xf32>, vector<1x10240xf32> -> vector<1x10240xf32>
    %swap3A = arith.constant 0 : index
    %swap3A_23 = arith.constant 0 : index
    %swap3A_24 = vector.load %arg5[%swap3A, %swap3A_23] : memref<1x10240xf32, #tpu.memory_space<vmem>>, vector<1x10240xf32>
    tpu.vector_store %arg5[%swap3A, %swap3A_23], %dot_general3A_22 {strides = array<i32>} : memref<1x10240xf32, #tpu.memory_space<vmem>>, vector<1x10240xf32>,
    %mul3A_25 = arith.mulf %dot_general3A_22, %get3A_4 : vector<1x10240xf32>
    %reshape3A_26 = vector.shape_cast %mul3A_25 : vector<1x10240xf32> to vector<10240xf32>
    %swap3A_27 = arith.constant 0 : index
    %swap3A_28 = vector.load %arg6[%swap3A_27] : memref<10240xf32, #tpu.memory_space<vmem>>, vector<10240xf32>
    tpu.vector_store %arg6[%swap3A_27], %reshape3A_26 {strides = array<i32>} : memref<10240xf32, #tpu.memory_space<vmem>>, vector<10240xf32>,
    return
  }
}

module attributes {stable_mosaic.version = 14 : i64} {
  func.func @_fin_body(%arg0: memref<327680xf32, #tpu.memory_space<vmem>>, %arg1: memref<1x10240xf32, #tpu.memory_space<vmem>>, %arg2: memref<1x10240xf32, #tpu.memory_space<vmem>>, %arg3: memref<1x1xf32, #tpu.memory_space<vmem>>, %arg4: memref<10000x128xf32, #tpu.memory_space<vmem>>) attributes {dimension_semantics = [], scalar_prefetch = 0 : i64, scratch_operands = 0 : i64, tpu.core_type = #tpu.core_type<tc>} {
    %get3A = arith.constant 0 : index
    %get3A_0 = vector.load %arg0[%get3A] : memref<327680xf32, #tpu.memory_space<vmem>>, vector<327680xf32>
    %reshape3A = vector.shape_cast %get3A_0 : vector<327680xf32> to vector<32x10240xf32>
    %get3A_1 = arith.constant 0 : index
    %get3A_2 = arith.constant 0 : index
    %get3A_3 = vector.load %arg2[%get3A_1, %get3A_2] : memref<1x10240xf32, #tpu.memory_space<vmem>>, vector<1x10240xf32>
    %reduce_sum3A = arith.constant dense<0.000000e+00> : vector<10240xf32>
    %reduce_sum3A_4 = vector.multi_reduction <add>, %reshape3A, %reduce_sum3A [0] : vector<32x10240xf32> to vector<10240xf32>
    %broadcast_in_dim3A = vector.shape_cast %reduce_sum3A_4 : vector<10240xf32> to vector<1x10240xf32>
    %mul3A = arith.mulf %get3A_3, %broadcast_in_dim3A : vector<1x10240xf32>
    %mul3A_5 = arith.mulf %get3A_3, %get3A_3 : vector<1x10240xf32>
    %get3A_6 = arith.constant 0 : index
    %get3A_7 = arith.constant 0 : index
    %get3A_8 = vector.load %arg1[%get3A_6, %get3A_7] : memref<1x10240xf32, #tpu.memory_space<vmem>>, vector<1x10240xf32>
    %mul3A_9 = arith.mulf %mul3A_5, %get3A_8 : vector<1x10240xf32>
    %add3A = arith.addf %mul3A, %mul3A_9 : vector<1x10240xf32>
    %get3A_10 = arith.constant 0 : index
    %get3A_11 = arith.constant 0 : index
    %get3A_12 = vector.load %arg3[%get3A_10, %get3A_11] : memref<1x1xf32, #tpu.memory_space<vmem>>, vector<1x1xf32>
    %add3A_13 = vector.broadcast %get3A_12 : vector<1x1xf32> to vector<1x10240xf32>
    %add3A_14 = arith.addf %add3A, %add3A_13 : vector<1x10240xf32>
    %iota3A = tpu.iota {dimensions = array<i32: 1>} : vector<1x128xi32>
    %eq3A = arith.constant 0 : i32
    %eq3A_15 = vector.broadcast %eq3A : i32 to vector<1x128xi32>
    %eq3A_16 = arith.cmpi eq, %iota3A, %eq3A_15 : vector<1x128xi32>
    %slice3A = vector.extract_strided_slice %add3A_14 {offsets = [0, 0], sizes = [1, 10000], strides = [1, 1]} : vector<1x10240xf32> to vector<1x10000xf32>
    %convert_element_type3A = arith.extui %eq3A_16 : vector<1x128xi1> to vector<1x128xi32>
    %convert_element_type3A_17 = arith.sitofp %convert_element_type3A : vector<1x128xi32> to vector<1x128xf32>
    %dot_general3A = arith.constant dense<0.000000e+00> : vector<10000x128xf32>
    %dot_general3A_18 = tpu.matmul %slice3A, %convert_element_type3A_17, %dot_general3A {dimension_numbers = #tpu.dot_dimension_numbers<[0], [0], [1], [1], [0, 1, 1, 1], [], []>, transpose_lhs_hint = false} : vector<1x10000xf32>, vector<1x128xf32>, vector<10000x128xf32> -> vector<10000x128xf32>
    %swap3A = arith.constant 0 : index
    %swap3A_19 = arith.constant 0 : index
    %swap3A_20 = vector.load %arg4[%swap3A, %swap3A_19] : memref<10000x128xf32, #tpu.memory_space<vmem>>, vector<10000x128xf32>
    tpu.vector_store %arg4[%swap3A, %swap3A_19], %dot_general3A_18 {strides = array<i32>} : memref<10000x128xf32, #tpu.memory_space<vmem>>, vector<10000x128xf32>,
    return
  }
}

</mosaic_0001>

<sc_bundles>
// kernel: kernel.12.cloned.1.call-start
scs
__scs_entry_jumppad:
0x0: {  	(pc) =	sbr.rel $0x88, $3  }
0x1: {  	(tag) =	ssettag $0x0;
	lr =	simm.s32 $0x1  }
0x2: {  	[smem:$0x3F9B] =	sst lr;
	_ =	strace $0xD0000000  }
0x3: {  	_ = 	snop  }
0x4: {  	_ = 	snop  }
0x5: {  	_ = 	snop  }
0x6: {  	_ = 	snop  }
0x7: {  	_ = 	snop  }
__scs_overlays_trampoline_lowered:
0x8: {  	[smem:$0x3FAA] =	sst s0  }
0x9: {  	[smem:$0x3FAB] =	sst s1  }
0xa: {  	[smem:$0x3FAC] =	sst s2  }
0xb: {  	[smem:$0x3FAD] =	sst s3  }
0xc: {  	[smem:$0x3FAE] =	sst s4  }
0xd: {  	[smem:$0x3FAF] =	sst s5  }
0xe: {  	[smem:$0x3FB0] =	sst s6  }
0xf: {  	[smem:$0x3FB1] =	sst s7  }
0x10: {  	[smem:$0x3FB2] =	sst s8  }
0x11: {  	[smem:$0x3FB3] =	sst s9;
	s0 =	simm.s32 @!p0 $0x0  }
0x12: {  	s1 =	sld [smem:$0x3F99];
	s0 =	simm.s32 @p0 $0x1  }
0x13: {  	[smem:$0x3FB4] =	sst s0;
	s0 =	simm.s32 @!p1 $0x0  }
0x14: {  	s2 =	sld [smem:$0x3F98];
	s0 =	simm.s32 @p1 $0x1  }
0x15: {  	[smem:$0x3FB5] =	sst s0;
	s0 =	simm.s32 @!p2 $0x0  }
0x16: {  	s3 =	sld [smem:$0x3FDB];
	s0 =	simm.s32 @p2 $0x1  }
0x17: {  	s4 =	simm.s32 $0x1BF5;
	[smem:$0x3FB7] =	sst s0  }
0x18: {  	s0 =	sld [smem:$0x3F9A];
	_ =	swait.ge [sflag:s4], $0x0  }
0x19: {  	s7 =	sld [smem:$0x3F9B]  }
0x1a: {  	s8 =	sadd.s32 $0xFFFFE003, lr  }
0x1b: {  	s9 =	sadd.s32 $0xFFFFFEF7, lr;
	s5 =	simm.s32 $0xFFFFFFFF;
	p2 =	slt.u32 s8, $0xFFFFF086  }
0x1c: {  	p1 =	slt.u32 s9, $0xF7A;
	s5 =	simm.s32 @!p2 $0x0  }
0x1d: {  	s5 =	simm.s32 @p1 $0x1;
	p0 =	seq.s32 s7, s2  }
0x1e: {  	s7 =	smul.u32 @!p0 $0xF7A, s2;
	p2 =	seq.s32 @!p0 s5, $0x0  }
0x1f: {  	s9 =	smul.u32 $0xF7A, s1;
	s8 =	simm.s32 @!p0 $0x1BF5;
	p2 =	por !p2, p0  }
0x20: {  	[sflag:s8] =	ssyncset.s32 @!p0 $0xFFFFF086;
	s6 =	sadd.s32 @!p0 s3, s7;
	s7 =	simm.s32 @!p0 $0x108  }
0x21: {  	s3 =	sadd.s32 s3, s9;
	s6 =	sadd.s32 @!p0 $0x88, s6;
	s7 =	simm.s32 @p2 $0x1082  }
0x22: {  	[simem:s7], [sflag:s8] =	dma.local @!p0 [hbm:s6], $0xF7A  }
0x23: {  	s9 =	sor.u32 $0xD0000000, s2;
	s6 =	simm.s32 $0x108;
	_ =	swait.ge @!p0 [sflag:s8], $0x0  }
0x24: {  	s3 =	sadd.s32 $0x88, s3;
	s6 =	simm.s32 @!p1 $0x1082;
	[sflag:s4] =	ssyncset.s32 $0xFFFFF086  }
0x25: {  	[simem:s6], [sflag:s4] =	dma.local [hbm:s3], $0xF7A  }
0x26: {  	[smem:$0x3F9B] =	sst s1;
	(tag) =	ssettag s2;
	_ =	strace s9  }
0x27: {  	s1 =	sld [smem:$0x3FAB]  }
0x28: {  	s2 =	sld [smem:$0x3FAC]  }
0x29: {  	s4 =	sld [smem:$0x3FAE]  }
0x2a: {  	p0 =	seq.s32 s5, $0x0;
	s5 =	sld [smem:$0x3FAF]  }
0x2b: {  	s6 =	sld [smem:$0x3FB0]  }
0x2c: {  	s7 =	sld [smem:$0x3FB1]  }
0x2d: {  	s3 =	simm.s32 $0x108;
	s8 =	sld [smem:$0x3FB2]  }
0x2e: {  	s3 =	simm.s32 @!p0 $0x1082;
	s9 =	sld [smem:$0x3FB3]  }
0x2f: {  	lr =	sadd.s32 s0, s3;
	s0 =	sld [smem:$0x3FAA]  }
0x30: {  	s3 =	sld [smem:$0x3FAD]  }
0x31: {  	[smem:$0x3FB6] =	sst s10  }
0x32: {  	s10 =	sld [smem:$0x3FB4];
	_ =	sdelay $0x3  }
0x33: {  	p0 =	seq.s32 s10, $0x1;
	s10 =	sld [smem:$0x3FB6];
	_ =	sdelay $0x3  }
0x34: {  	[smem:$0x3FB6] =	sst s10  }
0x35: {  	s10 =	sld [smem:$0x3FB5];
	_ =	sdelay $0x3  }
0x36: {  	p1 =	seq.s32 s10, $0x1;
	s10 =	sld [smem:$0x3FB6];
	_ =	sdelay $0x3  }
0x37: {  	[smem:$0x3FB6] =	sst s10  }
0x38: {  	s10 =	sld [smem:$0x3FB7]  }
0x39: {  	_ = 	snop;
	(pc) =	sbr.ind lr, $3  }
0x3a: {  	_ = 	snop  }
0x3b: {  	_ = 	snop  }
0x3c: {  	p2 =	seq.s32 s10, $0x1;
	s10 =	sld [smem:$0x3FB6]  }
0x3d: {  	_ =	shalt  }
0x3e: {  	_ =	shalt  }
0x3f: {  	_ =	shalt  }
0x40: {  	_ =	shalt  }
0x41: {  	_ =	shalt  }
0x42: {  	_ =	shalt  }
0x43: {  	_ =	shalt  }
0x44: {  	_ =	shalt  }
0x45: {  	_ =	shalt  }
0x46: {  	_ =	shalt  }
0x47: {  	_ =	shalt  }
0x48: {  	_ =	shalt  }
0x49: {  	_ =	shalt  }
0x4a: {  	_ =	shalt  }
0x4b: {  	_ =	shalt  }
0x4c: {  	_ =	shalt  }
0x4d: {  	_ =	shalt  }
0x4e: {  	_ =	shalt  }
0x4f: {  	_ =	shalt  }
0x50: {  	_ =	shalt  }
0x51: {  	_ =	shalt  }
0x52: {  	_ =	shalt  }
0x53: {  	_ =	shalt  }
0x54: {  	_ =	shalt  }
0x55: {  	_ =	shalt  }
0x56: {  	_ =	shalt  }
0x57: {  	_ =	shalt  }
0x58: {  	_ =	shalt  }
0x59: {  	_ =	shalt  }
0x5a: {  	_ =	shalt  }
0x5b: {  	_ =	shalt  }
0x5c: {  	_ =	shalt  }
0x5d: {  	_ =	shalt  }
0x5e: {  	_ =	shalt  }
0x5f: {  	_ =	shalt  }
0x60: {  	_ =	shalt  }
0x61: {  	_ =	shalt  }
0x62: {  	_ =	shalt  }
0x63: {  	_ =	shalt  }
0x64: {  	_ =	shalt  }
0x65: {  	_ =	shalt  }
0x66: {  	_ =	shalt  }
0x67: {  	_ =	shalt  }
0x68: {  	_ =	shalt  }
0x69: {  	_ =	shalt  }
0x6a: {  	_ =	shalt  }
0x6b: {  	_ =	shalt  }
0x6c: {  	_ =	shalt  }
0x6d: {  	_ =	shalt  }
0x6e: {  	_ =	shalt  }
0x6f: {  	_ =	shalt  }
0x70: {  	_ =	shalt  }
0x71: {  	_ =	shalt  }
0x72: {  	_ =	shalt  }
0x73: {  	_ =	shalt  }
0x74: {  	_ =	shalt  }
0x75: {  	_ =	shalt  }
0x76: {  	_ =	shalt  }
0x77: {  	_ =	shalt  }
0x78: {  	_ =	shalt  }
0x79: {  	_ =	shalt  }
0x7a: {  	_ =	shalt  }
0x7b: {  	_ =	shalt  }
0x7c: {  	_ =	shalt  }
0x7d: {  	_ =	shalt  }
0x7e: {  	_ =	shalt  }
0x7f: {  	_ =	shalt  }
0x80: {  	_ =	shalt  }
0x81: {  	_ =	shalt  }
0x82: {  	_ =	shalt  }
0x83: {  	_ =	shalt  }
0x84: {  	_ =	shalt  }
0x85: {  	_ =	shalt  }
0x86: {  	_ =	shalt  }
0x87: {  	_ =	shalt  }
.Lfunc_end0:
.L_simem_size_0:
called_computation.1_lowered:
.L_overlay_start_0:
0x88: {  	s2 =	sld [smem:$0x3FD9]  }
0x89: {  	s3 =	sld [smem:$0x3FFE];
	_ =	sdelay $0x1  }
0x8a: {  	s1 =	srdreg.scid  }
0x8b: {  	s0 =	sand.u32 $0x1, s1  }
0x8c: {  	s17 =	sshll.u32 s0, $0xA;
	s2 =	sadd.s32 s3, s2  }
0x8d: {  	s2 =	sadd.s32 s2, s17  }
0x8e: {  	[smem:$0x3FC2] =	sst s2  }
0x8f: {  	_ = 	snop  }
0x90: {  	s2 =	sld [smem:$0x3FD0];
	(tm) =	ssettm $0x1  }
0x91: {  	s18 =	sld [smem:$0x3FFB];
	_ =	sdelay $0x3  }
0x92: {  	_ =	strace s18  }
0x93: {  	s3 =	sld [smem:$0x3FFC];
	_ =	sdelay $0x3  }
0x94: {  	_ =	strace s3  }
0x95: {  	s3 =	sld [smem:$0x3FFD];
	_ =	sdelay $0x3  }
0x96: {  	_ =	strace s3  }
0x97: {  	_ =	strace $0x8FFFFFFF  }
0x98: {  	s19 =	sld [smem:$0x3FDB];
	_ =	sdelay $0x1  }
0x99: {  	s4 =	simm.s32 $_scs_section_size  }
0x9a: {  	s5 =	simm.s32 $_size__tile_overlayer_lowered;
	s6 =	simm.s32 $_tile_overlayer_lowered  }
0x9b: {  	s22 =	simm.s32 $0x1BFF;
	s21 =	sshll.u32 s6, $0x1;
	s3 =	sadd.s32 s4, s19  }
0x9c: {  	s7 =	simm.s32 $0x0;
	s20 =	sshll.u32 s5, $0x1;
	s5 =	sadd.s32 s21, s3  }
0x9d: {  	[timem:s7], [sflag:s22] =	dma.local [hbm:s5], s20  }
0x9e: {  	_ =	swait.ge [sflag:s22], s20  }
0x9f: {  	s4 =	ssub.s32 $0x0, s20;
	[sflag:s22] =	ssyncset.done $0x0  }
0xa0: {  	[sflag:s22] =	ssyncadd.s32 s4;
	_ =	sdelay $0x1  }
0xa1: {  	s23 =	simm.s32 $0x1B8B  }
0xa2: {  	_ =	swait.ge [sflag:s23], $0x1  }
0xa3: {  	[sflag:s23] =	ssyncset.done $0x0  }
0xa4: {  	s25 =	simm.s32 $0x1B8E;
	s24 =	sld [smem:$0x3FFE];
	[sflag:s23] =	ssyncadd.s32 $0xFFFFFFFF  }
0xa5: {  	s26 =	simm.s32 $execute0_lowered;
	[smem:$0x3FD2] =	sst s25  }
0xa6: {  	s5 =	sshll.u32 s26, $0x1;
	_ =	strace $0x80000049;
	[dreg:$0x1] =	wrdreg $0xFFFFFFFF  }
0xa7: {  	s28 =	simm.s32 $_size_execute0_lowered;
	s3 =	sadd.s32 s3, s5;
	[dreg:$0x0] =	wrdreg $0x0  }
0xa8: {  	s5 =	sshll.u32 s28, $0x1;
	[dreg:$0x2] =	wrdreg s3  }
0xa9: {  	[dreg:$0x3] =	wrdreg s5  }
0xaa: {  	[dreg:$0x4] =	wrdreg $0xC0  }
0xab: {  	_ =	task [dreg:s7], $0x5FFFF  }
0xac: {  	[dreg:$0x1] =	wrdreg $0xFFFFFFFF  }
0xad: {  	[dreg:$0x0] =	wrdreg $0x60  }
0xae: {  	[dreg:$0x2] =	wrdreg s24  }
0xaf: {  	[dreg:$0x3] =	wrdreg s2  }
0xb0: {  	[dreg:$0x4] =	wrdreg $0x9  }
0xb1: {  	_ =	task.clear_ibuf [dreg:s7], $0x5FFFF;
	_ =	strace $0x90000049  }
0xb2: {  	s29 =	simm.s32 $0x9;
	_ =	strace $0x8000004B  }
0xb3: {  	_ =	swait.ge [sflag:s29], $0x1  }
0xb4: {  	[sflag:s29] =	ssyncadd.s32 $0xFFFFFFFF  }
0xb5: {  	_ =	strace $0x9000004B  }
0xb6: {  	_ =	sfence  }
0xb7: {  	s30 =	sld [smem:$0x0];
	_ =	sdelay $0x2  }
0xb8: {  	s31 =	sshll.u32 s1, $0xD;
	s1 =	sshrl.u32 s1, $0x2  }
0xb9: {  	s3 =	sand.u32 $0x4000, s31;
	s1 =	sadd.s32 s1, s30  }
0xba: {  	s0 =	sor.u32 s3, s0;
	s1 =	sshll.u32 s1, $0x11  }
0xbb: {  	s0 =	sor.u32 s1, s0  }
0xbc: {  	s0 =	sadd.s32 $0x8F2B, s0  }
0xbd: {  	[sflag:s0] =	ssyncadd.remote.s32 $0x1  }
0xbe: {  	_ =	sfence.sel $0xFFFF  }
0xbf: {  	[dreg:$0x0] =	wrdreg $0xFFFFFFFF;
	(pc) =	sbr.abs _section_cstart, $3  }
0xc0: {  	[dreg:$0x1] =	wrdreg $0xFFFFFFFF  }
0xc1: {  	_ =	task.clear_ibuf [dreg:s7], $0x2FFFF;
	_ =	strace $0x9FFFFFFF  }
0xc2: {  	(tm) =	ssettm $0x7FFFFFFF  }
0xc3: {  	_ =	shalt  }
tec
execute0_lowered:
.L_overlay_start_1:
0x0: {  	(tag) =	ssettag $0x1  }
0x1: {  	s0 =	rddreg [dreg:$0x0]  }
0x2: {  	s3 =	rddreg [dreg:$0x1];
	s1 =	simm.s32 $0x0  }
0x3: {  	s2 =	srdreg.scid;
	s10 =	stileid.u32;
	s19 =	simm.s32 $0x1  }
0x4: {  	s20 =	simm.s32 $0xC800;
	s28 =	simm.s32 $0xA000;
	s29 =	simm.s32 $0x16800  }
0x5: {  	s30 =	simm.s32 $0x19000;
	s31 =	simm.s32 $0x1B780;
	s22 =	smul.u32 $0xA, s10  }
0x6: {  	[smem:$0x7FF] =	sst s1;
	s4 =	sand.u32 $0x1, s2;
	s23 =	smul.u32 $0x4E20, s10  }
0x7: {  	s5 =	sadd.s32 $0x2E00, s0;
	s2 =	sadd.s32 $0x2800, s0;
	s6 =	smul.u32 $0x1900, s4  }
0x8: {  	s0 =	sadd.s32 $0x7E00, s0;
	s7 =	ssub.s32 $0x2, s4;
	s8 =	smul.u32 $0xC800, s4  }
0x9: {  	_ =	strace $0x8000004A;
	s4 =	smul.u32 $0x5, s4;
	s9 =	sshrl.u32 s7, $0x1  }
0xa: {  	s18 =	ssub.s32 s7, s9;
	s21 =	sshrl.u32 s8, $0x3;
	s6 =	sadd.s32 s5, s6  }
0xb: {  	s4 =	sadd.s32 s4, s22;
	s9 =	sshrl.u32 s23, $0x3;
	s22 =	simm.s32 $0xF000  }
0xc: {  	s23 =	simm.s32 $0x5000;
	[dreg:$0x3] =	wrdreg s6;
	s12 =	smul.u32 $0x2800, s4  }
0xd: {  	s5 =	sadd.s32 s5, s21;
	s9 =	sadd.s32 s3, s9;
	s25 =	smul.u32 $0x500, s4  }
0xe: {  	s18 =	smax.u32 s18, $0x1;
	s21 =	simm.s32 $0x2800;
	s24 =	sadd.s32 $0x500, s5  }
0xf: {  	s6 =	sadd.s32 $0xA00, s5;
	s7 =	sadd.s32 $0xF00, s5;
	s8 =	sadd.s32 $0x1400, s5  }
0x10: {  	s10 =	sadd.s32 $0x9C40, s9;
	s11 =	sadd.s32 $0x4E2, s9;
	[dreg:$0x4] =	wrdreg s24  }
0x11: {  	s26 =	sshrl.u32 s12, $0x3;
	s12 =	sadd.s32 $0xA122, s9;
	s13 =	sadd.s32 s0, s25  }
0x12: {  	s24 =	simm.s32 $0x11800;
	s25 =	simm.s32 $0x7800;
	s0 =	sadd.s32 s0, s26  }
0x13: {  	s26 =	simm.s32 $0x14000;
	s14 =	sadd.s32 $0x500, s0;
	s15 =	sadd.s32 $0xA00, s0  }
0x14: {  	s16 =	sadd.s32 $0xF00, s0;
	s17 =	sadd.s32 $0x1400, s0;
	s0 =	simm.s32 $0x0  }
.LBB2_1:
0x15: {  	s3 =	rddreg [dreg:$0x3]  }
0x16: {  	[tilespmem:s1], [sflag:$0x1] =	stream.linear.gather [hbm4b:s3+s1], $0x2800, $0x38;
	[tilespmem:$0x1DF00] =	vst v63  }
0x17: {  	_ =	swait.ge [sflag:s19], $0x2800  }
0x18: {  	[sflag:s19] =	ssyncset.done $0x0  }
0x19: {  	[sflag:s19] =	ssyncadd.s32 $0xFFFFD800  }
0x1a: {  	[tilespmem:s20], [sflag:$0x1] =	stream.linear.gather [hbm4b:s2+s1], $0x2800, $0x38;
	[tilespmem:$0x1DF00] =	vst v63  }
0x1b: {  	_ =	swait.ge [sflag:s19], $0x2800  }
0x1c: {  	[sflag:s19] =	ssyncset.done $0x0  }
0x1d: {  	s5 =	rddreg [dreg:$0x4];
	[sflag:s19] =	ssyncadd.s32 $0xFFFFD800  }
0x1e: {  	[tilespmem:s21], [sflag:$0x1] =	stream.linear.gather [hbm4b:s5+s1], $0x2800, $0x38;
	[tilespmem:$0x1DF00] =	vst v63  }
0x1f: {  	_ =	swait.ge [sflag:s19], $0x2800  }
0x20: {  	[sflag:s19] =	ssyncset.done $0x0  }
0x21: {  	[sflag:s19] =	ssyncadd.s32 $0xFFFFD800  }
0x22: {  	[tilespmem:s22], [sflag:$0x1] =	stream.linear.gather [hbm4b:s2+s1], $0x2800, $0x38;
	[tilespmem:$0x1DF00] =	vst v63  }
0x23: {  	_ =	swait.ge [sflag:s19], $0x2800  }
0x24: {  	[sflag:s19] =	ssyncset.done $0x0  }
0x25: {  	[sflag:s19] =	ssyncadd.s32 $0xFFFFD800  }
0x26: {  	[tilespmem:s23], [sflag:$0x1] =	stream.linear.gather [hbm4b:s6+s1], $0x2800, $0x38;
	[tilespmem:$0x1DF00] =	vst v63  }
0x27: {  	_ =	swait.ge [sflag:s19], $0x2800  }
0x28: {  	[sflag:s19] =	ssyncset.done $0x0  }
0x29: {  	[sflag:s19] =	ssyncadd.s32 $0xFFFFD800  }
0x2a: {  	[tilespmem:s24], [sflag:$0x1] =	stream.linear.gather [hbm4b:s2+s1], $0x2800, $0x38;
	[tilespmem:$0x1DF00] =	vst v63  }
0x2b: {  	_ =	swait.ge [sflag:s19], $0x2800  }
0x2c: {  	[sflag:s19] =	ssyncset.done $0x0  }
0x2d: {  	[sflag:s19] =	ssyncadd.s32 $0xFFFFD800  }
0x2e: {  	[tilespmem:s25], [sflag:$0x1] =	stream.linear.gather [hbm4b:s7+s1], $0x2800, $0x38;
	[tilespmem:$0x1DF00] =	vst v63  }
0x2f: {  	_ =	swait.ge [sflag:s19], $0x2800  }
0x30: {  	[sflag:s19] =	ssyncset.done $0x0  }
0x31: {  	[sflag:s19] =	ssyncadd.s32 $0xFFFFD800  }
0x32: {  	[tilespmem:s26], [sflag:$0x1] =	stream.linear.gather [hbm4b:s2+s1], $0x2800, $0x38;
	[tilespmem:$0x1DF00] =	vst v63  }
0x33: {  	_ =	swait.ge [sflag:s19], $0x2800  }
0x34: {  	[sflag:s19] =	ssyncset.done $0x0  }
0x35: {  	[sflag:s19] =	ssyncadd.s32 $0xFFFFD800  }
0x36: {  	[tilespmem:s28], [sflag:$0x1] =	stream.linear.gather [hbm4b:s8+s1], $0x2800, $0x38;
	[tilespmem:$0x1DF00] =	vst v63  }
0x37: {  	_ =	swait.ge [sflag:s19], $0x2800  }
0x38: {  	[sflag:s19] =	ssyncset.done $0x0  }
0x39: {  	[sflag:s19] =	ssyncadd.s32 $0xFFFFD800  }
0x3a: {  	[tilespmem:s29], [sflag:$0x1] =	stream.linear.gather [hbm4b:s2+s1], $0x2800, $0x38;
	[tilespmem:$0x1DF00] =	vst v63  }
0x3b: {  	_ =	swait.ge [sflag:s19], $0x2800  }
0x3c: {  	[sflag:s19] =	ssyncset.done $0x0  }
0x3d: {  	[sflag:s19] =	ssyncadd.s32 $0xFFFFD800  }
0x3e: {  	[tilespmem:s30], [sflag:$0x1] =	stream.linear.gather [hbm4b:s9+s1], $0x2710, $0x38;
	[tilespmem:$0x1DF00] =	vst v63  }
0x3f: {  	_ =	swait.ge [sflag:s19], $0x2710  }
0x40: {  	[sflag:s19] =	ssyncset.done $0x0  }
0x41: {  	[sflag:s19] =	ssyncadd.s32 $0xFFFFD8F0  }
0x42: {  	[tilespmem:s31], [sflag:$0x1] =	stream.linear.gather [hbm4b:s10+s1], $0x2710, $0x38;
	[tilespmem:$0x1DF00] =	vst v63  }
0x43: {  	_ =	swait.ge [sflag:s19], $0x2710  }
0x44: {  	[sflag:s19] =	ssyncset.done $0x0  }
0x45: {  	s4 =	simm.s32 $0x19040;
	[sflag:s19] =	ssyncadd.s32 $0xFFFFD8F0  }
0x46: {  	v0 =	vld [tilespmem:s4+$0x30]  }
0x47: {  	v1 =	vld [tilespmem:s4+$0xFFFFFFD0]  }
0x48: {  	v2 =	vld [tilespmem:s4+$0xFFFFFFE0]  }
0x49: {  	v3 =	vld [tilespmem:s4+$0xFFFFFFF0]  }
0x4a: {  	v4 =	vld [tilespmem:s4+$0x0]  }
0x4b: {  	s3 =	simm.s32 $0x1B7C0;
	v5 =	vld [tilespmem:s4+$0x10]  }
0x4c: {  	v6 =	vld [tilespmem:s3+$0x30]  }
0x4d: {  	v7 =	vld [tilespmem:s4+$0x20]  }
0x4e: {  	v9 =	vld [tilespmem:s4+$0xFFFFFFC0]  }
0x4f: {  	v17 =	vld [tilespmem:s3+$0xFFFFFFC0]  }
0x50: {  	v18 =	vld [tilespmem:s3+$0xFFFFFFD0]  }
0x51: {  	v19 =	vld [tilespmem:s3+$0xFFFFFFE0]  }
0x52: {  	v20 =	vld [tilespmem:s3+$0xFFFFFFF0]  }
0x53: {  	v21 =	vld [tilespmem:s3+$0x0]  }
0x54: {  	v22 =	vld [tilespmem:s3+$0x10]  }
0x55: {  	v23 =	vld [tilespmem:s3+$0x20]  }
0x56: {  	v8 =	vld.idx.msk [tilespmem:v0+s1+$0x0], $0xffff  }
0x57: {  	v10 =	vld.idx.msk [tilespmem:v1+s1+$0x0], $0xffff  }
0x58: {  	v11 =	vld.idx.msk [tilespmem:v2+s1+$0x0], $0xffff  }
0x59: {  	v12 =	vld.idx.msk [tilespmem:v3+s1+$0x0], $0xffff  }
0x5a: {  	v15 =	vld.idx.msk [tilespmem:v9+s1+$0x0], $0xffff  }
0x5b: {  	v13 =	vld.idx.msk [tilespmem:v4+s1+$0x0], $0xffff  }
0x5c: {  	v14 =	vld.idx.msk [tilespmem:v5+s1+$0x0], $0xffff  }
0x5d: {  	v16 =	vld.idx.msk [tilespmem:v7+s1+$0x0], $0xffff  }
0x5e: {  	[tilespmem:v6+s20+$0x0] =	vst.idx.add.f32.msk $0xffff, v8  }
0x5f: {  	[tilespmem:v17+s20+$0x0] =	vst.idx.add.f32.msk $0xffff, v15  }
0x60: {  	[tilespmem:v18+s20+$0x0] =	vst.idx.add.f32.msk $0xffff, v10  }
0x61: {  	[tilespmem:v19+s20+$0x0] =	vst.idx.add.f32.msk $0xffff, v11  }
0x62: {  	[tilespmem:v20+s20+$0x0] =	vst.idx.add.f32.msk $0xffff, v12  }
0x63: {  	[tilespmem:v21+s20+$0x0] =	vst.idx.add.f32.msk $0xffff, v13  }
0x64: {  	[tilespmem:v22+s20+$0x0] =	vst.idx.add.f32.msk $0xffff, v14  }
0x65: {  	[tilespmem:v23+s20+$0x0] =	vst.idx.add.f32.msk $0xffff, v16  }
0x66: {  	v8 =	vld.idx.msk [tilespmem:v0+s21+$0x0], $0xffff  }
0x67: {  	v53 =	vld.idx.msk [tilespmem:v9+s21+$0x0], $0xffff  }
0x68: {  	v10 =	vld.idx.msk [tilespmem:v1+s21+$0x0], $0xffff  }
0x69: {  	v11 =	vld.idx.msk [tilespmem:v2+s21+$0x0], $0xffff  }
0x6a: {  	v54 =	vld.idx.msk [tilespmem:v3+s21+$0x0], $0xffff  }
0x6b: {  	v55 =	vld.idx.msk [tilespmem:v4+s21+$0x0], $0xffff  }
0x6c: {  	v56 =	vld.idx.msk [tilespmem:v5+s21+$0x0], $0xffff  }
0x6d: {  	v57 =	vld.idx.msk [tilespmem:v7+s21+$0x0], $0xffff  }
0x6e: {  	[tilespmem:v6+s22+$0x0] =	vst.idx.add.f32.msk $0xffff, v8  }
0x6f: {  	[tilespmem:v17+s22+$0x0] =	vst.idx.add.f32.msk $0xffff, v53  }
0x70: {  	[tilespmem:v18+s22+$0x0] =	vst.idx.add.f32.msk $0xffff, v10  }
0x71: {  	[tilespmem:v19+s22+$0x0] =	vst.idx.add.f32.msk $0xffff, v11  }
0x72: {  	[tilespmem:v20+s22+$0x0] =	vst.idx.add.f32.msk $0xffff, v54  }
0x73: {  	[tilespmem:v21+s22+$0x0] =	vst.idx.add.f32.msk $0xffff, v55  }
0x74: {  	[tilespmem:v22+s22+$0x0] =	vst.idx.add.f32.msk $0xffff, v56  }
0x75: {  	[tilespmem:v23+s22+$0x0] =	vst.idx.add.f32.msk $0xffff, v57  }
0x76: {  	v8 =	vld.idx.msk [tilespmem:v0+s23+$0x0], $0xffff  }
0x77: {  	v58 =	vld.idx.msk [tilespmem:v9+s23+$0x0], $0xffff  }
0x78: {  	v59 =	vld.idx.msk [tilespmem:v1+s23+$0x0], $0xffff  }
0x79: {  	v60 =	vld.idx.msk [tilespmem:v2+s23+$0x0], $0xffff  }
0x7a: {  	v61 =	vld.idx.msk [tilespmem:v3+s23+$0x0], $0xffff  }
0x7b: {  	v62 =	vld.idx.msk [tilespmem:v4+s23+$0x0], $0xffff  }
0x7c: {  	v12 =	vld.idx.msk [tilespmem:v5+s23+$0x0], $0xffff  }
0x7d: {  	v13 =	vld.idx.msk [tilespmem:v7+s23+$0x0], $0xffff  }
0x7e: {  	[tilespmem:v6+s24+$0x0] =	vst.idx.add.f32.msk $0xffff, v8  }
0x7f: {  	[tilespmem:v17+s24+$0x0] =	vst.idx.add.f32.msk $0xffff, v58  }
0x80: {  	[tilespmem:v18+s24+$0x0] =	vst.idx.add.f32.msk $0xffff, v59  }
0x81: {  	[tilespmem:v19+s24+$0x0] =	vst.idx.add.f32.msk $0xffff, v60  }
0x82: {  	[tilespmem:v20+s24+$0x0] =	vst.idx.add.f32.msk $0xffff, v61  }
0x83: {  	[tilespmem:v21+s24+$0x0] =	vst.idx.add.f32.msk $0xffff, v62  }
0x84: {  	[tilespmem:v22+s24+$0x0] =	vst.idx.add.f32.msk $0xffff, v12  }
0x85: {  	[tilespmem:v23+s24+$0x0] =	vst.idx.add.f32.msk $0xffff, v13  }
0x86: {  	v8 =	vld.idx.msk [tilespmem:v0+s25+$0x0], $0xffff  }
0x87: {  	v10 =	vld.idx.msk [tilespmem:v3+s25+$0x0], $0xffff  }
0x88: {  	v11 =	vld.idx.msk [tilespmem:v4+s25+$0x0], $0xffff  }
0x89: {  	v12 =	vld.idx.msk [tilespmem:v5+s25+$0x0], $0xffff  }
0x8a: {  	v13 =	vld.idx.msk [tilespmem:v7+s25+$0x0], $0xffff  }
0x8b: {  	[tilespmem:v6+s26+$0x0] =	vst.idx.add.f32.msk $0xffff, v8  }
0x8c: {  	v8 =	vld.idx.msk [tilespmem:v2+s25+$0x0], $0xffff  }
0x8d: {  	[tilespmem:v20+s26+$0x0] =	vst.idx.add.f32.msk $0xffff, v10  }
0x8e: {  	[tilespmem:v21+s26+$0x0] =	vst.idx.add.f32.msk $0xffff, v11  }
0x8f: {  	[tilespmem:v22+s26+$0x0] =	vst.idx.add.f32.msk $0xffff, v12  }
0x90: {  	[tilespmem:v23+s26+$0x0] =	vst.idx.add.f32.msk $0xffff, v13  }
0x91: {  	v0 =	vld.idx.msk [tilespmem:v0+s28+$0x0], $0xffff  }
0x92: {  	v3 =	vld.idx.msk [tilespmem:v3+s28+$0x0], $0xffff  }
0x93: {  	v4 =	vld.idx.msk [tilespmem:v4+s28+$0x0], $0xffff  }
0x94: {  	v5 =	vld.idx.msk [tilespmem:v5+s28+$0x0], $0xffff  }
0x95: {  	v63 =	vld.idx.msk [tilespmem:v7+s28+$0x0], $0xffff  }
0x96: {  	[tilespmem:v19+s26+$0x0] =	vst.idx.add.f32.msk $0xffff, v8  }
0x97: {  	[tilespmem:v6+s29+$0x0] =	vst.idx.add.f32.msk $0xffff, v0  }
0x98: {  	v0 =	vld.idx.msk [tilespmem:v9+s25+$0x0], $0xffff  }
0x99: {  	v6 =	vld.idx.msk [tilespmem:v1+s25+$0x0], $0xffff  }
0x9a: {  	v2 =	vld.idx.msk [tilespmem:v2+s28+$0x0], $0xffff  }
0x9b: {  	[tilespmem:v20+s29+$0x0] =	vst.idx.add.f32.msk $0xffff, v3  }
0x9c: {  	[tilespmem:v21+s29+$0x0] =	vst.idx.add.f32.msk $0xffff, v4  }
0x9d: {  	[tilespmem:v17+s26+$0x0] =	vst.idx.add.f32.msk $0xffff, v0  }
0x9e: {  	[tilespmem:v18+s26+$0x0] =	vst.idx.add.f32.msk $0xffff, v6  }
0x9f: {  	v0 =	vld.idx.msk [tilespmem:v9+s28+$0x0], $0xffff  }
0xa0: {  	v1 =	vld.idx.msk [tilespmem:v1+s28+$0x0], $0xffff  }
0xa1: {  	[tilespmem:v22+s29+$0x0] =	vst.idx.add.f32.msk $0xffff, v5  }
0xa2: {  	[tilespmem:v23+s29+$0x0] =	vst.idx.add.f32.msk $0xffff, v63  }
0xa3: {  	[tilespmem:v19+s29+$0x0] =	vst.idx.add.f32.msk $0xffff, v2  }
0xa4: {  	[tilespmem:v17+s29+$0x0] =	vst.idx.add.f32.msk $0xffff, v0  }
0xa5: {  	s5 =	simm.s32 $0x190C0;
	s4 =	simm.s32 $0x0;
	[tilespmem:v18+s29+$0x0] =	vst.idx.add.f32.msk $0xffff, v1  }
.LBB2_2:
0xa6: {  	v14 =	vld [tilespmem:s5+$0x30];
	s4 =	sadd.s32 $0x8, s4  }
0xa7: {  	v0 =	vld [tilespmem:s5+$0xFFFFFFD0];
	p0 =	slt.u32 s4, $0x268  }
0xa8: {  	v1 =	vld [tilespmem:s5+$0xFFFFFFE0]  }
0xa9: {  	v2 =	vld [tilespmem:s5+$0xFFFFFFF0]  }
0xaa: {  	v3 =	vld [tilespmem:s5+$0x0]  }
0xab: {  	s3 =	sadd.s32 $0x80, s3;
	v4 =	vld [tilespmem:s5+$0x10]  }
0xac: {  	v15 =	vld [tilespmem:s3+$0x30]  }
0xad: {  	v5 =	vld [tilespmem:s5+$0x20]  }
0xae: {  	v7 =	vld.idx.msk [tilespmem:v14+s1+$0x0], $0xffff  }
0xaf: {  	v6 =	vld [tilespmem:s5+$0xFFFFFFC0]  }
0xb0: {  	v16 =	vld.idx.msk [tilespmem:v0+s1+$0x0], $0xffff  }
0xb1: {  	v17 =	vld.idx.msk [tilespmem:v1+s1+$0x0], $0xffff  }
0xb2: {  	v18 =	vld.idx.msk [tilespmem:v2+s1+$0x0], $0xffff  }
0xb3: {  	v19 =	vld.idx.msk [tilespmem:v3+s1+$0x0], $0xffff  }
0xb4: {  	[tilespmem:v15+s20+$0x0] =	vst.idx.add.f32.msk $0xffff, v7  }
0xb5: {  	v9 =	vld.idx.msk [tilespmem:v14+s21+$0x0], $0xffff  }
0xb6: {  	v20 =	vld.idx.msk [tilespmem:v4+s1+$0x0], $0xffff  }
0xb7: {  	v21 =	vld.idx.msk [tilespmem:v6+s1+$0x0], $0xffff  }
0xb8: {  	v22 =	vld.idx.msk [tilespmem:v5+s1+$0x0], $0xffff  }
0xb9: {  	v7 =	vld [tilespmem:s3+$0xFFFFFFC0]  }
0xba: {  	v8 =	vld [tilespmem:s3+$0xFFFFFFD0]  }
0xbb: {  	[tilespmem:v15+s22+$0x0] =	vst.idx.add.f32.msk $0xffff, v9  }
0xbc: {  	v23 =	vld.idx.msk [tilespmem:v14+s23+$0x0], $0xffff  }
0xbd: {  	v9 =	vld [tilespmem:s3+$0xFFFFFFE0]  }
0xbe: {  	v10 =	vld [tilespmem:s3+$0xFFFFFFF0]  }
0xbf: {  	v11 =	vld [tilespmem:s3+$0x0]  }
0xc0: {  	v12 =	vld [tilespmem:s3+$0x10]  }
0xc1: {  	v13 =	vld [tilespmem:s3+$0x20]  }
0xc2: {  	[tilespmem:v15+s24+$0x0] =	vst.idx.add.f32.msk $0xffff, v23  }
0xc3: {  	v23 =	vld.idx.msk [tilespmem:v14+s25+$0x0], $0xffff  }
0xc4: {  	[tilespmem:v7+s20+$0x0] =	vst.idx.add.f32.msk $0xffff, v21  }
0xc5: {  	[tilespmem:v8+s20+$0x0] =	vst.idx.add.f32.msk $0xffff, v16  }
0xc6: {  	[tilespmem:v9+s20+$0x0] =	vst.idx.add.f32.msk $0xffff, v17  }
0xc7: {  	[tilespmem:v10+s20+$0x0] =	vst.idx.add.f32.msk $0xffff, v18  }
0xc8: {  	[tilespmem:v11+s20+$0x0] =	vst.idx.add.f32.msk $0xffff, v19  }
0xc9: {  	[tilespmem:v15+s26+$0x0] =	vst.idx.add.f32.msk $0xffff, v23  }
0xca: {  	v14 =	vld.idx.msk [tilespmem:v14+s28+$0x0], $0xffff  }
0xcb: {  	[tilespmem:v12+s20+$0x0] =	vst.idx.add.f32.msk $0xffff, v20  }
0xcc: {  	[tilespmem:v13+s20+$0x0] =	vst.idx.add.f32.msk $0xffff, v22  }
0xcd: {  	v16 =	vld.idx.msk [tilespmem:v6+s21+$0x0], $0xffff  }
0xce: {  	v17 =	vld.idx.msk [tilespmem:v0+s21+$0x0], $0xffff  }
0xcf: {  	v18 =	vld.idx.msk [tilespmem:v1+s21+$0x0], $0xffff  }
0xd0: {  	[tilespmem:v15+s29+$0x0] =	vst.idx.add.f32.msk $0xffff, v14  }
0xd1: {  	v14 =	vld.idx.msk [tilespmem:v2+s21+$0x0], $0xffff  }
0xd2: {  	v15 =	vld.idx.msk [tilespmem:v3+s21+$0x0], $0xffff  }
0xd3: {  	v19 =	vld.idx.msk [tilespmem:v4+s21+$0x0], $0xffff  }
0xd4: {  	v20 =	vld.idx.msk [tilespmem:v5+s21+$0x0], $0xffff  }
0xd5: {  	[tilespmem:v7+s22+$0x0] =	vst.idx.add.f32.msk $0xffff, v16  }
0xd6: {  	[tilespmem:v8+s22+$0x0] =	vst.idx.add.f32.msk $0xffff, v17  }
0xd7: {  	[tilespmem:v9+s22+$0x0] =	vst.idx.add.f32.msk $0xffff, v18  }
0xd8: {  	[tilespmem:v10+s22+$0x0] =	vst.idx.add.f32.msk $0xffff, v14  }
0xd9: {  	[tilespmem:v11+s22+$0x0] =	vst.idx.add.f32.msk $0xffff, v15  }
0xda: {  	[tilespmem:v12+s22+$0x0] =	vst.idx.add.f32.msk $0xffff, v19  }
0xdb: {  	[tilespmem:v13+s22+$0x0] =	vst.idx.add.f32.msk $0xffff, v20  }
0xdc: {  	v14 =	vld.idx.msk [tilespmem:v6+s23+$0x0], $0xffff  }
0xdd: {  	v15 =	vld.idx.msk [tilespmem:v0+s23+$0x0], $0xffff  }
0xde: {  	v16 =	vld.idx.msk [tilespmem:v1+s23+$0x0], $0xffff  }
0xdf: {  	v17 =	vld.idx.msk [tilespmem:v2+s23+$0x0], $0xffff  }
0xe0: {  	v18 =	vld.idx.msk [tilespmem:v3+s23+$0x0], $0xffff  }
0xe1: {  	v19 =	vld.idx.msk [tilespmem:v4+s23+$0x0], $0xffff  }
0xe2: {  	v20 =	vld.idx.msk [tilespmem:v5+s23+$0x0], $0xffff  }
0xe3: {  	[tilespmem:v7+s24+$0x0] =	vst.idx.add.f32.msk $0xffff, v14  }
0xe4: {  	[tilespmem:v8+s24+$0x0] =	vst.idx.add.f32.msk $0xffff, v15  }
0xe5: {  	[tilespmem:v9+s24+$0x0] =	vst.idx.add.f32.msk $0xffff, v16  }
0xe6: {  	[tilespmem:v10+s24+$0x0] =	vst.idx.add.f32.msk $0xffff, v17  }
0xe7: {  	[tilespmem:v11+s24+$0x0] =	vst.idx.add.f32.msk $0xffff, v18  }
0xe8: {  	[tilespmem:v12+s24+$0x0] =	vst.idx.add.f32.msk $0xffff, v19  }
0xe9: {  	[tilespmem:v13+s24+$0x0] =	vst.idx.add.f32.msk $0xffff, v20  }
0xea: {  	v14 =	vld.idx.msk [tilespmem:v6+s25+$0x0], $0xffff  }
0xeb: {  	v15 =	vld.idx.msk [tilespmem:v0+s25+$0x0], $0xffff  }
0xec: {  	v16 =	vld.idx.msk [tilespmem:v1+s25+$0x0], $0xffff  }
0xed: {  	v17 =	vld.idx.msk [tilespmem:v2+s25+$0x0], $0xffff  }
0xee: {  	v18 =	vld.idx.msk [tilespmem:v3+s25+$0x0], $0xffff  }
0xef: {  	v19 =	vld.idx.msk [tilespmem:v4+s25+$0x0], $0xffff  }
0xf0: {  	v20 =	vld.idx.msk [tilespmem:v5+s25+$0x0], $0xffff  }
0xf1: {  	[tilespmem:v7+s26+$0x0] =	vst.idx.add.f32.msk $0xffff, v14  }
0xf2: {  	[tilespmem:v8+s26+$0x0] =	vst.idx.add.f32.msk $0xffff, v15  }
0xf3: {  	[tilespmem:v9+s26+$0x0] =	vst.idx.add.f32.msk $0xffff, v16  }
0xf4: {  	[tilespmem:v10+s26+$0x0] =	vst.idx.add.f32.msk $0xffff, v17  }
0xf5: {  	[tilespmem:v11+s26+$0x0] =	vst.idx.add.f32.msk $0xffff, v18  }
0xf6: {  	[tilespmem:v12+s26+$0x0] =	vst.idx.add.f32.msk $0xffff, v19  }
0xf7: {  	[tilespmem:v13+s26+$0x0] =	vst.idx.add.f32.msk $0xffff, v20  }
0xf8: {  	v6 =	vld.idx.msk [tilespmem:v6+s28+$0x0], $0xffff  }
0xf9: {  	v0 =	vld.idx.msk [tilespmem:v0+s28+$0x0], $0xffff  }
0xfa: {  	v1 =	vld.idx.msk [tilespmem:v1+s28+$0x0], $0xffff  }
0xfb: {  	v2 =	vld.idx.msk [tilespmem:v2+s28+$0x0], $0xffff  }
0xfc: {  	v3 =	vld.idx.msk [tilespmem:v3+s28+$0x0], $0xffff  }
0xfd: {  	v4 =	vld.idx.msk [tilespmem:v4+s28+$0x0], $0xffff  }
0xfe: {  	v5 =	vld.idx.msk [tilespmem:v5+s28+$0x0], $0xffff  }
0xff: {  	[tilespmem:v7+s29+$0x0] =	vst.idx.add.f32.msk $0xffff, v6  }
0x100: {  	[tilespmem:v8+s29+$0x0] =	vst.idx.add.f32.msk $0xffff, v0  }
.Ltmp0:
0x101: {  	[tilespmem:v9+s29+$0x0] =	vst.idx.add.f32.msk $0xffff, v1;
	(pc) =	sbr.rel @p0 .LBB2_2-.Ltmp0, $4  }
0x102: {  	[tilespmem:v10+s29+$0x0] =	vst.idx.add.f32.msk $0xffff, v2  }
0x103: {  	[tilespmem:v11+s29+$0x0] =	vst.idx.add.f32.msk $0xffff, v3  }
0x104: {  	[tilespmem:v12+s29+$0x0] =	vst.idx.add.f32.msk $0xffff, v4  }
0x105: {  	s5 =	sadd.s32 $0x80, s5;
	[tilespmem:v13+s29+$0x0] =	vst.idx.add.f32.msk $0xffff, v5  }
0x106: {  	v0 =	vld [tilespmem:$0x1B700];
	_ =	sdelay $0x4  }
0x107: {  	v1 =	vld [tilespmem:$0x1DE80];
	_ =	sdelay $0x2  }
0x108: {  	v2 =	vld.idx.msk [tilespmem:v0+s1+$0x0], $0xffff;
	_ =	sdelay $0x4  }
0x109: {  	[tilespmem:v1+s20+$0x0] =	vst.idx.add.f32.msk $0xffff, v2  }
0x10a: {  	v2 =	vld.idx.msk [tilespmem:v0+s21+$0x0], $0xffff;
	_ =	sdelay $0x4  }
0x10b: {  	[tilespmem:v1+s22+$0x0] =	vst.idx.add.f32.msk $0xffff, v2  }
0x10c: {  	v2 =	vld.idx.msk [tilespmem:v0+s23+$0x0], $0xffff;
	_ =	sdelay $0x4  }
0x10d: {  	[tilespmem:v1+s24+$0x0] =	vst.idx.add.f32.msk $0xffff, v2  }
0x10e: {  	v2 =	vld.idx.msk [tilespmem:v0+s25+$0x0], $0xffff;
	_ =	sdelay $0x4  }
0x10f: {  	[tilespmem:v1+s26+$0x0] =	vst.idx.add.f32.msk $0xffff, v2  }
0x110: {  	v0 =	vld.idx.msk [tilespmem:v0+s28+$0x0], $0xffff;
	_ =	sdelay $0x4  }
0x111: {  	[tilespmem:v1+s29+$0x0] =	vst.idx.add.f32.msk $0xffff, v0  }
0x112: {  	[tilespmem:s30], [sflag:$0x1] =	stream.linear.gather [hbm4b:s11+s1], $0x2710, $0x38;
	[tilespmem:$0x1DF00] =	vst v63  }
0x113: {  	_ =	swait.ge [sflag:s19], $0x2710  }
0x114: {  	[sflag:s19] =	ssyncset.done $0x0  }
0x115: {  	[sflag:s19] =	ssyncadd.s32 $0xFFFFD8F0  }
0x116: {  	[tilespmem:s31], [sflag:$0x1] =	stream.linear.gather [hbm4b:s12+s1], $0x2710, $0x38;
	[tilespmem:$0x1DF00] =	vst v63  }
0x117: {  	_ =	swait.ge [sflag:s19], $0x2710  }
0x118: {  	[sflag:s19] =	ssyncset.done $0x0  }
0x119: {  	s4 =	simm.s32 $0x19040;
	[sflag:s19] =	ssyncadd.s32 $0xFFFFD8F0  }
0x11a: {  	v50 =	vld [tilespmem:s4+$0x30]  }
0x11b: {  	v51 =	vld [tilespmem:s4+$0xFFFFFFD0]  }
0x11c: {  	v52 =	vld [tilespmem:s4+$0xFFFFFFE0]  }
0x11d: {  	v3 =	vld [tilespmem:s4+$0xFFFFFFF0]  }
0x11e: {  	v4 =	vld [tilespmem:s4+$0x0]  }
0x11f: {  	s3 =	simm.s32 $0x1B7C0;
	v5 =	vld [tilespmem:s4+$0x10]  }
0x120: {  	v6 =	vld [tilespmem:s3+$0x30]  }
0x121: {  	v7 =	vld [tilespmem:s4+$0x20]  }
0x122: {  	v9 =	vld [tilespmem:s4+$0xFFFFFFC0]  }
0x123: {  	v17 =	vld [tilespmem:s3+$0xFFFFFFC0]  }
0x124: {  	v18 =	vld [tilespmem:s3+$0xFFFFFFD0]  }
0x125: {  	v19 =	vld [tilespmem:s3+$0xFFFFFFE0]  }
0x126: {  	v20 =	vld [tilespmem:s3+$0xFFFFFFF0]  }
0x127: {  	v21 =	vld [tilespmem:s3+$0x0]  }
0x128: {  	v22 =	vld [tilespmem:s3+$0x10]  }
0x129: {  	v23 =	vld [tilespmem:s3+$0x20]  }
0x12a: {  	v8 =	vld.idx.msk [tilespmem:v50+s1+$0x0], $0xffff  }
0x12b: {  	v10 =	vld.idx.msk [tilespmem:v51+s1+$0x0], $0xffff  }
0x12c: {  	v11 =	vld.idx.msk [tilespmem:v52+s1+$0x0], $0xffff  }
0x12d: {  	v12 =	vld.idx.msk [tilespmem:v3+s1+$0x0], $0xffff  }
0x12e: {  	v15 =	vld.idx.msk [tilespmem:v9+s1+$0x0], $0xffff  }
0x12f: {  	v13 =	vld.idx.msk [tilespmem:v4+s1+$0x0], $0xffff  }
0x130: {  	v14 =	vld.idx.msk [tilespmem:v5+s1+$0x0], $0xffff  }
0x131: {  	v16 =	vld.idx.msk [tilespmem:v7+s1+$0x0], $0xffff  }
0x132: {  	[tilespmem:v6+s20+$0x0] =	vst.idx.add.f32.msk $0xffff, v8  }
0x133: {  	[tilespmem:v17+s20+$0x0] =	vst.idx.add.f32.msk $0xffff, v15  }
0x134: {  	[tilespmem:v18+s20+$0x0] =	vst.idx.add.f32.msk $0xffff, v10  }
0x135: {  	[tilespmem:v19+s20+$0x0] =	vst.idx.add.f32.msk $0xffff, v11  }
0x136: {  	[tilespmem:v20+s20+$0x0] =	vst.idx.add.f32.msk $0xffff, v12  }
0x137: {  	[tilespmem:v21+s20+$0x0] =	vst.idx.add.f32.msk $0xffff, v13  }
0x138: {  	[tilespmem:v22+s20+$0x0] =	vst.idx.add.f32.msk $0xffff, v14  }
0x139: {  	[tilespmem:v23+s20+$0x0] =	vst.idx.add.f32.msk $0xffff, v16  }
0x13a: {  	v8 =	vld.idx.msk [tilespmem:v50+s21+$0x0], $0xffff  }
0x13b: {  	v53 =	vld.idx.msk [tilespmem:v9+s21+$0x0], $0xffff  }
0x13c: {  	v10 =	vld.idx.msk [tilespmem:v51+s21+$0x0], $0xffff  }
0x13d: {  	v11 =	vld.idx.msk [tilespmem:v52+s21+$0x0], $0xffff  }
0x13e: {  	v54 =	vld.idx.msk [tilespmem:v3+s21+$0x0], $0xffff  }
0x13f: {  	v55 =	vld.idx.msk [tilespmem:v4+s21+$0x0], $0xffff  }
0x140: {  	v56 =	vld.idx.msk [tilespmem:v5+s21+$0x0], $0xffff  }
0x141: {  	v57 =	vld.idx.msk [tilespmem:v7+s21+$0x0], $0xffff  }
0x142: {  	[tilespmem:v6+s22+$0x0] =	vst.idx.add.f32.msk $0xffff, v8  }
0x143: {  	[tilespmem:v17+s22+$0x0] =	vst.idx.add.f32.msk $0xffff, v53  }
0x144: {  	[tilespmem:v18+s22+$0x0] =	vst.idx.add.f32.msk $0xffff, v10  }
0x145: {  	[tilespmem:v19+s22+$0x0] =	vst.idx.add.f32.msk $0xffff, v11  }
0x146: {  	[tilespmem:v20+s22+$0x0] =	vst.idx.add.f32.msk $0xffff, v54  }
0x147: {  	[tilespmem:v21+s22+$0x0] =	vst.idx.add.f32.msk $0xffff, v55  }
0x148: {  	[tilespmem:v22+s22+$0x0] =	vst.idx.add.f32.msk $0xffff, v56  }
0x149: {  	[tilespmem:v23+s22+$0x0] =	vst.idx.add.f32.msk $0xffff, v57  }
0x14a: {  	v8 =	vld.idx.msk [tilespmem:v50+s23+$0x0], $0xffff  }
0x14b: {  	v58 =	vld.idx.msk [tilespmem:v9+s23+$0x0], $0xffff  }
0x14c: {  	v59 =	vld.idx.msk [tilespmem:v51+s23+$0x0], $0xffff  }
0x14d: {  	v60 =	vld.idx.msk [tilespmem:v52+s23+$0x0], $0xffff  }
0x14e: {  	v61 =	vld.idx.msk [tilespmem:v3+s23+$0x0], $0xffff  }
0x14f: {  	v62 =	vld.idx.msk [tilespmem:v4+s23+$0x0], $0xffff  }
0x150: {  	v12 =	vld.idx.msk [tilespmem:v5+s23+$0x0], $0xffff  }
0x151: {  	v13 =	vld.idx.msk [tilespmem:v7+s23+$0x0], $0xffff  }
0x152: {  	[tilespmem:v6+s24+$0x0] =	vst.idx.add.f32.msk $0xffff, v8  }
0x153: {  	[tilespmem:v17+s24+$0x0] =	vst.idx.add.f32.msk $0xffff, v58  }
0x154: {  	[tilespmem:v18+s24+$0x0] =	vst.idx.add.f32.msk $0xffff, v59  }
0x155: {  	[tilespmem:v19+s24+$0x0] =	vst.idx.add.f32.msk $0xffff, v60  }
0x156: {  	[tilespmem:v20+s24+$0x0] =	vst.idx.add.f32.msk $0xffff, v61  }
0x157: {  	[tilespmem:v21+s24+$0x0] =	vst.idx.add.f32.msk $0xffff, v62  }
0x158: {  	[tilespmem:v22+s24+$0x0] =	vst.idx.add.f32.msk $0xffff, v12  }
0x159: {  	[tilespmem:v23+s24+$0x0] =	vst.idx.add.f32.msk $0xffff, v13  }
0x15a: {  	v8 =	vld.idx.msk [tilespmem:v50+s25+$0x0], $0xffff  }
0x15b: {  	v10 =	vld.idx.msk [tilespmem:v3+s25+$0x0], $0xffff  }
0x15c: {  	v11 =	vld.idx.msk [tilespmem:v4+s25+$0x0], $0xffff  }
0x15d: {  	v12 =	vld.idx.msk [tilespmem:v5+s25+$0x0], $0xffff  }
0x15e: {  	v13 =	vld.idx.msk [tilespmem:v7+s25+$0x0], $0xffff  }
0x15f: {  	[tilespmem:v6+s26+$0x0] =	vst.idx.add.f32.msk $0xffff, v8  }
0x160: {  	v8 =	vld.idx.msk [tilespmem:v52+s25+$0x0], $0xffff  }
0x161: {  	[tilespmem:v20+s26+$0x0] =	vst.idx.add.f32.msk $0xffff, v10  }
0x162: {  	[tilespmem:v21+s26+$0x0] =	vst.idx.add.f32.msk $0xffff, v11  }
0x163: {  	[tilespmem:v22+s26+$0x0] =	vst.idx.add.f32.msk $0xffff, v12  }
0x164: {  	[tilespmem:v23+s26+$0x0] =	vst.idx.add.f32.msk $0xffff, v13  }
0x165: {  	v0 =	vld.idx.msk [tilespmem:v50+s28+$0x0], $0xffff  }
0x166: {  	v3 =	vld.idx.msk [tilespmem:v3+s28+$0x0], $0xffff  }
0x167: {  	v4 =	vld.idx.msk [tilespmem:v4+s28+$0x0], $0xffff  }
0x168: {  	v5 =	vld.idx.msk [tilespmem:v5+s28+$0x0], $0xffff  }
0x169: {  	v63 =	vld.idx.msk [tilespmem:v7+s28+$0x0], $0xffff  }
0x16a: {  	[tilespmem:v19+s26+$0x0] =	vst.idx.add.f32.msk $0xffff, v8  }
0x16b: {  	[tilespmem:v6+s29+$0x0] =	vst.idx.add.f32.msk $0xffff, v0  }
0x16c: {  	v0 =	vld.idx.msk [tilespmem:v9+s25+$0x0], $0xffff  }
0x16d: {  	v6 =	vld.idx.msk [tilespmem:v51+s25+$0x0], $0xffff  }
0x16e: {  	v2 =	vld.idx.msk [tilespmem:v52+s28+$0x0], $0xffff  }
0x16f: {  	[tilespmem:v20+s29+$0x0] =	vst.idx.add.f32.msk $0xffff, v3  }
0x170: {  	[tilespmem:v21+s29+$0x0] =	vst.idx.add.f32.msk $0xffff, v4  }
0x171: {  	[tilespmem:v17+s26+$0x0] =	vst.idx.add.f32.msk $0xffff, v0  }
0x172: {  	[tilespmem:v18+s26+$0x0] =	vst.idx.add.f32.msk $0xffff, v6  }
0x173: {  	v0 =	vld.idx.msk [tilespmem:v9+s28+$0x0], $0xffff  }
0x174: {  	v1 =	vld.idx.msk [tilespmem:v51+s28+$0x0], $0xffff  }
0x175: {  	[tilespmem:v22+s29+$0x0] =	vst.idx.add.f32.msk $0xffff, v5  }
0x176: {  	[tilespmem:v23+s29+$0x0] =	vst.idx.add.f32.msk $0xffff, v63  }
0x177: {  	[tilespmem:v19+s29+$0x0] =	vst.idx.add.f32.msk $0xffff, v2  }
0x178: {  	[tilespmem:v17+s29+$0x0] =	vst.idx.add.f32.msk $0xffff, v0  }
0x179: {  	s5 =	simm.s32 $0x190C0;
	s4 =	simm.s32 $0x0;
	[tilespmem:v18+s29+$0x0] =	vst.idx.add.f32.msk $0xffff, v1  }
.LBB2_4:
0x17a: {  	v14 =	vld [tilespmem:s5+$0x30];
	s4 =	sadd.s32 $0x8, s4  }
0x17b: {  	v0 =	vld [tilespmem:s5+$0xFFFFFFD0];
	p0 =	slt.u32 s4, $0x268  }
0x17c: {  	v1 =	vld [tilespmem:s5+$0xFFFFFFE0]  }
0x17d: {  	v2 =	vld [tilespmem:s5+$0xFFFFFFF0]  }
0x17e: {  	v3 =	vld [tilespmem:s5+$0x0]  }
0x17f: {  	s3 =	sadd.s32 $0x80, s3;
	v4 =	vld [tilespmem:s5+$0x10]  }
0x180: {  	v15 =	vld [tilespmem:s3+$0x30]  }
0x181: {  	v5 =	vld [tilespmem:s5+$0x20]  }
0x182: {  	v7 =	vld.idx.msk [tilespmem:v14+s1+$0x0], $0xffff  }
0x183: {  	v6 =	vld [tilespmem:s5+$0xFFFFFFC0]  }
0x184: {  	v16 =	vld.idx.msk [tilespmem:v0+s1+$0x0], $0xffff  }
0x185: {  	v17 =	vld.idx.msk [tilespmem:v1+s1+$0x0], $0xffff  }
0x186: {  	v18 =	vld.idx.msk [tilespmem:v2+s1+$0x0], $0xffff  }
0x187: {  	v19 =	vld.idx.msk [tilespmem:v3+s1+$0x0], $0xffff  }
0x188: {  	[tilespmem:v15+s20+$0x0] =	vst.idx.add.f32.msk $0xffff, v7  }
0x189: {  	v9 =	vld.idx.msk [tilespmem:v14+s21+$0x0], $0xffff  }
0x18a: {  	v20 =	vld.idx.msk [tilespmem:v4+s1+$0x0], $0xffff  }
0x18b: {  	v21 =	vld.idx.msk [tilespmem:v6+s1+$0x0], $0xffff  }
0x18c: {  	v22 =	vld.idx.msk [tilespmem:v5+s1+$0x0], $0xffff  }
0x18d: {  	v7 =	vld [tilespmem:s3+$0xFFFFFFC0]  }
0x18e: {  	v8 =	vld [tilespmem:s3+$0xFFFFFFD0]  }
0x18f: {  	[tilespmem:v15+s22+$0x0] =	vst.idx.add.f32.msk $0xffff, v9  }
0x190: {  	v23 =	vld.idx.msk [tilespmem:v14+s23+$0x0], $0xffff  }
0x191: {  	v9 =	vld [tilespmem:s3+$0xFFFFFFE0]  }
0x192: {  	v10 =	vld [tilespmem:s3+$0xFFFFFFF0]  }
0x193: {  	v11 =	vld [tilespmem:s3+$0x0]  }
0x194: {  	v12 =	vld [tilespmem:s3+$0x10]  }
0x195: {  	v13 =	vld [tilespmem:s3+$0x20]  }
0x196: {  	[tilespmem:v15+s24+$0x0] =	vst.idx.add.f32.msk $0xffff, v23  }
0x197: {  	v23 =	vld.idx.msk [tilespmem:v14+s25+$0x0], $0xffff  }
0x198: {  	[tilespmem:v7+s20+$0x0] =	vst.idx.add.f32.msk $0xffff, v21  }
0x199: {  	[tilespmem:v8+s20+$0x0] =	vst.idx.add.f32.msk $0xffff, v16  }
0x19a: {  	[tilespmem:v9+s20+$0x0] =	vst.idx.add.f32.msk $0xffff, v17  }
0x19b: {  	[tilespmem:v10+s20+$0x0] =	vst.idx.add.f32.msk $0xffff, v18  }
0x19c: {  	[tilespmem:v11+s20+$0x0] =	vst.idx.add.f32.msk $0xffff, v19  }
0x19d: {  	[tilespmem:v15+s26+$0x0] =	vst.idx.add.f32.msk $0xffff, v23  }
0x19e: {  	v14 =	vld.idx.msk [tilespmem:v14+s28+$0x0], $0xffff  }
0x19f: {  	[tilespmem:v12+s20+$0x0] =	vst.idx.add.f32.msk $0xffff, v20  }
0x1a0: {  	[tilespmem:v13+s20+$0x0] =	vst.idx.add.f32.msk $0xffff, v22  }
0x1a1: {  	v16 =	vld.idx.msk [tilespmem:v6+s21+$0x0], $0xffff  }
0x1a2: {  	v17 =	vld.idx.msk [tilespmem:v0+s21+$0x0], $0xffff  }
0x1a3: {  	v18 =	vld.idx.msk [tilespmem:v1+s21+$0x0], $0xffff  }
0x1a4: {  	[tilespmem:v15+s29+$0x0] =	vst.idx.add.f32.msk $0xffff, v14  }
0x1a5: {  	v14 =	vld.idx.msk [tilespmem:v2+s21+$0x0], $0xffff  }
0x1a6: {  	v15 =	vld.idx.msk [tilespmem:v3+s21+$0x0], $0xffff  }
0x1a7: {  	v19 =	vld.idx.msk [tilespmem:v4+s21+$0x0], $0xffff  }
0x1a8: {  	v20 =	vld.idx.msk [tilespmem:v5+s21+$0x0], $0xffff  }
0x1a9: {  	[tilespmem:v7+s22+$0x0] =	vst.idx.add.f32.msk $0xffff, v16  }
0x1aa: {  	[tilespmem:v8+s22+$0x0] =	vst.idx.add.f32.msk $0xffff, v17  }
0x1ab: {  	[tilespmem:v9+s22+$0x0] =	vst.idx.add.f32.msk $0xffff, v18  }
0x1ac: {  	[tilespmem:v10+s22+$0x0] =	vst.idx.add.f32.msk $0xffff, v14  }
0x1ad: {  	[tilespmem:v11+s22+$0x0] =	vst.idx.add.f32.msk $0xffff, v15  }
0x1ae: {  	[tilespmem:v12+s22+$0x0] =	vst.idx.add.f32.msk $0xffff, v19  }
0x1af: {  	[tilespmem:v13+s22+$0x0] =	vst.idx.add.f32.msk $0xffff, v20  }
0x1b0: {  	v14 =	vld.idx.msk [tilespmem:v6+s23+$0x0], $0xffff  }
0x1b1: {  	v15 =	vld.idx.msk [tilespmem:v0+s23+$0x0], $0xffff  }
0x1b2: {  	v16 =	vld.idx.msk [tilespmem:v1+s23+$0x0], $0xffff  }
0x1b3: {  	v17 =	vld.idx.msk [tilespmem:v2+s23+$0x0], $0xffff  }
0x1b4: {  	v18 =	vld.idx.msk [tilespmem:v3+s23+$0x0], $0xffff  }
0x1b5: {  	v19 =	vld.idx.msk [tilespmem:v4+s23+$0x0], $0xffff  }
0x1b6: {  	v20 =	vld.idx.msk [tilespmem:v5+s23+$0x0], $0xffff  }
0x1b7: {  	[tilespmem:v7+s24+$0x0] =	vst.idx.add.f32.msk $0xffff, v14  }
0x1b8: {  	[tilespmem:v8+s24+$0x0] =	vst.idx.add.f32.msk $0xffff, v15  }
0x1b9: {  	[tilespmem:v9+s24+$0x0] =	vst.idx.add.f32.msk $0xffff, v16  }
0x1ba: {  	[tilespmem:v10+s24+$0x0] =	vst.idx.add.f32.msk $0xffff, v17  }
0x1bb: {  	[tilespmem:v11+s24+$0x0] =	vst.idx.add.f32.msk $0xffff, v18  }
0x1bc: {  	[tilespmem:v12+s24+$0x0] =	vst.idx.add.f32.msk $0xffff, v19  }
0x1bd: {  	[tilespmem:v13+s24+$0x0] =	vst.idx.add.f32.msk $0xffff, v20  }
0x1be: {  	v14 =	vld.idx.msk [tilespmem:v6+s25+$0x0], $0xffff  }
0x1bf: {  	v15 =	vld.idx.msk [tilespmem:v0+s25+$0x0], $0xffff  }
0x1c0: {  	v16 =	vld.idx.msk [tilespmem:v1+s25+$0x0], $0xffff  }
0x1c1: {  	v17 =	vld.idx.msk [tilespmem:v2+s25+$0x0], $0xffff  }
0x1c2: {  	v18 =	vld.idx.msk [tilespmem:v3+s25+$0x0], $0xffff  }
0x1c3: {  	v19 =	vld.idx.msk [tilespmem:v4+s25+$0x0], $0xffff  }
0x1c4: {  	v20 =	vld.idx.msk [tilespmem:v5+s25+$0x0], $0xffff  }
0x1c5: {  	[tilespmem:v7+s26+$0x0] =	vst.idx.add.f32.msk $0xffff, v14  }
0x1c6: {  	[tilespmem:v8+s26+$0x0] =	vst.idx.add.f32.msk $0xffff, v15  }
0x1c7: {  	[tilespmem:v9+s26+$0x0] =	vst.idx.add.f32.msk $0xffff, v16  }
0x1c8: {  	[tilespmem:v10+s26+$0x0] =	vst.idx.add.f32.msk $0xffff, v17  }
0x1c9: {  	[tilespmem:v11+s26+$0x0] =	vst.idx.add.f32.msk $0xffff, v18  }
0x1ca: {  	[tilespmem:v12+s26+$0x0] =	vst.idx.add.f32.msk $0xffff, v19  }
0x1cb: {  	[tilespmem:v13+s26+$0x0] =	vst.idx.add.f32.msk $0xffff, v20  }
0x1cc: {  	v6 =	vld.idx.msk [tilespmem:v6+s28+$0x0], $0xffff  }
0x1cd: {  	v0 =	vld.idx.msk [tilespmem:v0+s28+$0x0], $0xffff  }
0x1ce: {  	v1 =	vld.idx.msk [tilespmem:v1+s28+$0x0], $0xffff  }
0x1cf: {  	v2 =	vld.idx.msk [tilespmem:v2+s28+$0x0], $0xffff  }
0x1d0: {  	v3 =	vld.idx.msk [tilespmem:v3+s28+$0x0], $0xffff  }
0x1d1: {  	v4 =	vld.idx.msk [tilespmem:v4+s28+$0x0], $0xffff  }
0x1d2: {  	v5 =	vld.idx.msk [tilespmem:v5+s28+$0x0], $0xffff  }
0x1d3: {  	[tilespmem:v7+s29+$0x0] =	vst.idx.add.f32.msk $0xffff, v6  }
0x1d4: {  	[tilespmem:v8+s29+$0x0] =	vst.idx.add.f32.msk $0xffff, v0  }
.Ltmp1:
0x1d5: {  	[tilespmem:v9+s29+$0x0] =	vst.idx.add.f32.msk $0xffff, v1;
	(pc) =	sbr.rel @p0 .LBB2_4-.Ltmp1, $4  }
0x1d6: {  	[tilespmem:v10+s29+$0x0] =	vst.idx.add.f32.msk $0xffff, v2  }
0x1d7: {  	[tilespmem:v11+s29+$0x0] =	vst.idx.add.f32.msk $0xffff, v3  }
0x1d8: {  	[tilespmem:v12+s29+$0x0] =	vst.idx.add.f32.msk $0xffff, v4  }
0x1d9: {  	s5 =	sadd.s32 $0x80, s5;
	[tilespmem:v13+s29+$0x0] =	vst.idx.add.f32.msk $0xffff, v5  }
0x1da: {  	v0 =	vld [tilespmem:$0x1B700];
	_ =	sdelay $0x4  }
0x1db: {  	v1 =	vld [tilespmem:$0x1DE80];
	_ =	sdelay $0x2  }
0x1dc: {  	v2 =	vld.idx.msk [tilespmem:v0+s1+$0x0], $0xffff;
	_ =	sdelay $0x4  }
0x1dd: {  	[tilespmem:v1+s20+$0x0] =	vst.idx.add.f32.msk $0xffff, v2  }
0x1de: {  	v2 =	vld.idx.msk [tilespmem:v0+s21+$0x0], $0xffff;
	_ =	sdelay $0x4  }
0x1df: {  	[tilespmem:v1+s22+$0x0] =	vst.idx.add.f32.msk $0xffff, v2  }
0x1e0: {  	v2 =	vld.idx.msk [tilespmem:v0+s23+$0x0], $0xffff;
	_ =	sdelay $0x4  }
0x1e1: {  	[tilespmem:v1+s24+$0x0] =	vst.idx.add.f32.msk $0xffff, v2  }
0x1e2: {  	v2 =	vld.idx.msk [tilespmem:v0+s25+$0x0], $0xffff;
	_ =	sdelay $0x4  }
0x1e3: {  	[tilespmem:v1+s26+$0x0] =	vst.idx.add.f32.msk $0xffff, v2  }
0x1e4: {  	v0 =	vld.idx.msk [tilespmem:v0+s28+$0x0], $0xffff;
	_ =	sdelay $0x4  }
0x1e5: {  	[tilespmem:v1+s29+$0x0] =	vst.idx.add.f32.msk $0xffff, v0  }
0x1e6: {  	[hbm4b:s13+s1] =	stream.linear.scatter [tilespmem:s20], [sflag:$0x1], $0x2800, $0x38;
	[tilespmem:$0x1DF00] =	vst v63  }
0x1e7: {  	_ =	swait.ge [sflag:s19], $0x2800  }
0x1e8: {  	[sflag:s19] =	ssyncset.done $0x0  }
0x1e9: {  	[sflag:s19] =	ssyncadd.s32 $0xFFFFD800  }
0x1ea: {  	[hbm4b:s14+s1] =	stream.linear.scatter [tilespmem:s22], [sflag:$0x1], $0x2800, $0x38;
	[tilespmem:$0x1DF00] =	vst v63  }
0x1eb: {  	_ =	swait.ge [sflag:s19], $0x2800  }
0x1ec: {  	[sflag:s19] =	ssyncset.done $0x0  }
0x1ed: {  	[sflag:s19] =	ssyncadd.s32 $0xFFFFD800  }
0x1ee: {  	[hbm4b:s15+s1] =	stream.linear.scatter [tilespmem:s24], [sflag:$0x1], $0x2800, $0x38;
	[tilespmem:$0x1DF00] =	vst v63  }
0x1ef: {  	_ =	swait.ge [sflag:s19], $0x2800  }
0x1f0: {  	[sflag:s19] =	ssyncset.done $0x0  }
0x1f1: {  	[sflag:s19] =	ssyncadd.s32 $0xFFFFD800  }
0x1f2: {  	[hbm4b:s16+s1] =	stream.linear.scatter [tilespmem:s26], [sflag:$0x1], $0x2800, $0x38;
	[tilespmem:$0x1DF00] =	vst v63  }
0x1f3: {  	s0 =	sadd.s32 $0x1, s0;
	_ =	swait.ge [sflag:s19], $0x2800  }
0x1f4: {  	p0 =	sne.s32 s0, s18;
	[sflag:s19] =	ssyncset.done $0x0  }
.Ltmp2:
0x1f5: {  	[sflag:s19] =	ssyncadd.s32 $0xFFFFD800;
	(pc) =	sbr.rel @p0 .LBB2_1-.Ltmp2, $4  }
0x1f6: {  	[hbm4b:s17+s1] =	stream.linear.scatter [tilespmem:s29], [sflag:$0x1], $0x2800, $0x38;
	[tilespmem:$0x1DF00] =	vst v63  }
0x1f7: {  	_ =	swait.ge [sflag:s19], $0x2800  }
0x1f8: {  	[sflag:s19] =	ssyncset.done $0x0  }
0x1f9: {  	[sflag:s19] =	ssyncadd.s32 $0xFFFFD800  }
0x1fa: {  	_ =	sfence.sel $0x180000  }
0x1fb: {  	[bflag:$0x0] =	sbarrier.arrive $0xFFFF  }
0x1fc: {  	_ =	strace $0x9000004A  }
0x1fd: {  	s0 =	stileid.u32;
	[bflag:$0x2] =	sbarrier.arrive $0xFFFF  }
0x1fe: {  	p0 =	sne.s32 s0, $0x0;
	s0 =	rddreg [dreg:$0x2]  }
0x1ff: {  	s0 =	sadd.s32 @!p0 $0x100000, s0  }
0x200: {  	[sflag:s0] =	ssyncadd.tile.s32 @!p0 $0x1;
	_ =	shalt  }
.Lfunc_end2:
_tile_overlayer_lowered:
.L_overlay_start_2:
0x201: {  	(tag) =	ssettag $0x2  }
0x202: {  	s0 =	rddreg [dreg:$0x0];
	s2 =	stileid.u32  }
0x203: {  	s1 =	rddreg [dreg:$0x1];
	p0 =	sne.s32 s2, $0x0  }
0x204: {  	s3 =	rddreg [dreg:$0x2];
	[bflag:$0x3] =	sbarrier.arrive $0xFFFF;
	s2 =	simm.s32 @!p0 $0x1C01  }
0x205: {  	[timem:s3], [sflag:s2] =	dma.local @!p0 [hbm:s0], s1  }
0x206: {  	s0 =	simm.s32 @!p0 $0x1  }
0x207: {  	_ =	swait.ge @!p0 [sflag:s0], s1  }
0x208: {  	s1 =	ssub.s32 @!p0 $0x0, s1;
	[sflag:s0] =	ssyncset.done @!p0 $0x0  }
0x209: {  	[sflag:s0] =	ssyncadd.s32 @!p0 s1  }
0x20a: {  	[bflag:$0x3] =	sbarrier.arrive $0xFFFF  }
0x20b: {  	_ =	shalt  }

// kernel: kernel.15.cloned.1.call-start
scs
__scs_entry_jumppad:
0x0: {  	(pc) =	sbr.rel $0x88, $3  }
0x1: {  	(tag) =	ssettag $0x0;
	lr =	simm.s32 $0x1  }
0x2: {  	[smem:$0x3F9B] =	sst lr;
	_ =	strace $0xD0000000  }
0x3: {  	_ = 	snop  }
0x4: {  	_ = 	snop  }
0x5: {  	_ = 	snop  }
0x6: {  	_ = 	snop  }
0x7: {  	_ = 	snop  }
__scs_overlays_trampoline_lowered:
0x8: {  	[smem:$0x3FAA] =	sst s0  }
0x9: {  	[smem:$0x3FAB] =	sst s1  }
0xa: {  	[smem:$0x3FAC] =	sst s2  }
0xb: {  	[smem:$0x3FAD] =	sst s3  }
0xc: {  	[smem:$0x3FAE] =	sst s4  }
0xd: {  	[smem:$0x3FAF] =	sst s5  }
0xe: {  	[smem:$0x3FB0] =	sst s6  }
0xf: {  	[smem:$0x3FB1] =	sst s7  }
0x10: {  	[smem:$0x3FB2] =	sst s8  }
0x11: {  	[smem:$0x3FB3] =	sst s9;
	s0 =	simm.s32 @!p0 $0x0  }
0x12: {  	s1 =	sld [smem:$0x3F99];
	s0 =	simm.s32 @p0 $0x1  }
0x13: {  	[smem:$0x3FB4] =	sst s0;
	s0 =	simm.s32 @!p1 $0x0  }
0x14: {  	s2 =	sld [smem:$0x3F98];
	s0 =	simm.s32 @p1 $0x1  }
0x15: {  	[smem:$0x3FB5] =	sst s0;
	s0 =	simm.s32 @!p2 $0x0  }
0x16: {  	s3 =	sld [smem:$0x3FDB];
	s0 =	simm.s32 @p2 $0x1  }
0x17: {  	s4 =	simm.s32 $0x1BF5;
	[smem:$0x3FB7] =	sst s0  }
0x18: {  	s0 =	sld [smem:$0x3F9A];
	_ =	swait.ge [sflag:s4], $0x0  }
0x19: {  	s7 =	sld [smem:$0x3F9B]  }
0x1a: {  	s8 =	sadd.s32 $0xFFFFE003, lr  }
0x1b: {  	s9 =	sadd.s32 $0xFFFFFEF7, lr;
	s5 =	simm.s32 $0xFFFFFFFF;
	p2 =	slt.u32 s8, $0xFFFFF086  }
0x1c: {  	p1 =	slt.u32 s9, $0xF7A;
	s5 =	simm.s32 @!p2 $0x0  }
0x1d: {  	s5 =	simm.s32 @p1 $0x1;
	p0 =	seq.s32 s7, s2  }
0x1e: {  	s7 =	smul.u32 @!p0 $0xF7A, s2;
	p2 =	seq.s32 @!p0 s5, $0x0  }
0x1f: {  	s9 =	smul.u32 $0xF7A, s1;
	s8 =	simm.s32 @!p0 $0x1BF5;
	p2 =	por !p2, p0  }
0x20: {  	[sflag:s8] =	ssyncset.s32 @!p0 $0xFFFFF086;
	s6 =	sadd.s32 @!p0 s3, s7;
	s7 =	simm.s32 @!p0 $0x108  }
0x21: {  	s3 =	sadd.s32 s3, s9;
	s6 =	sadd.s32 @!p0 $0x88, s6;
	s7 =	simm.s32 @p2 $0x1082  }
0x22: {  	[simem:s7], [sflag:s8] =	dma.local @!p0 [hbm:s6], $0xF7A  }
0x23: {  	s9 =	sor.u32 $0xD0000000, s2;
	s6 =	simm.s32 $0x108;
	_ =	swait.ge @!p0 [sflag:s8], $0x0  }
0x24: {  	s3 =	sadd.s32 $0x88, s3;
	s6 =	simm.s32 @!p1 $0x1082;
	[sflag:s4] =	ssyncset.s32 $0xFFFFF086  }
0x25: {  	[simem:s6], [sflag:s4] =	dma.local [hbm:s3], $0xF7A  }
0x26: {  	[smem:$0x3F9B] =	sst s1;
	(tag) =	ssettag s2;
	_ =	strace s9  }
0x27: {  	s1 =	sld [smem:$0x3FAB]  }
0x28: {  	s2 =	sld [smem:$0x3FAC]  }
0x29: {  	s4 =	sld [smem:$0x3FAE]  }
0x2a: {  	p0 =	seq.s32 s5, $0x0;
	s5 =	sld [smem:$0x3FAF]  }
0x2b: {  	s6 =	sld [smem:$0x3FB0]  }
0x2c: {  	s7 =	sld [smem:$0x3FB1]  }
0x2d: {  	s3 =	simm.s32 $0x108;
	s8 =	sld [smem:$0x3FB2]  }
0x2e: {  	s3 =	simm.s32 @!p0 $0x1082;
	s9 =	sld [smem:$0x3FB3]  }
0x2f: {  	lr =	sadd.s32 s0, s3;
	s0 =	sld [smem:$0x3FAA]  }
0x30: {  	s3 =	sld [smem:$0x3FAD]  }
0x31: {  	[smem:$0x3FB6] =	sst s10  }
0x32: {  	s10 =	sld [smem:$0x3FB4];
	_ =	sdelay $0x3  }
0x33: {  	p0 =	seq.s32 s10, $0x1;
	s10 =	sld [smem:$0x3FB6];
	_ =	sdelay $0x3  }
0x34: {  	[smem:$0x3FB6] =	sst s10  }
0x35: {  	s10 =	sld [smem:$0x3FB5];
	_ =	sdelay $0x3  }
0x36: {  	p1 =	seq.s32 s10, $0x1;
	s10 =	sld [smem:$0x3FB6];
	_ =	sdelay $0x3  }
0x37: {  	[smem:$0x3FB6] =	sst s10  }
0x38: {  	s10 =	sld [smem:$0x3FB7]  }
0x39: {  	_ = 	snop;
	(pc) =	sbr.ind lr, $3  }
0x3a: {  	_ = 	snop  }
0x3b: {  	_ = 	snop  }
0x3c: {  	p2 =	seq.s32 s10, $0x1;
	s10 =	sld [smem:$0x3FB6]  }
0x3d: {  	_ =	shalt  }
0x3e: {  	_ =	shalt  }
0x3f: {  	_ =	shalt  }
0x40: {  	_ =	shalt  }
0x41: {  	_ =	shalt  }
0x42: {  	_ =	shalt  }
0x43: {  	_ =	shalt  }
0x44: {  	_ =	shalt  }
0x45: {  	_ =	shalt  }
0x46: {  	_ =	shalt  }
0x47: {  	_ =	shalt  }
0x48: {  	_ =	shalt  }
0x49: {  	_ =	shalt  }
0x4a: {  	_ =	shalt  }
0x4b: {  	_ =	shalt  }
0x4c: {  	_ =	shalt  }
0x4d: {  	_ =	shalt  }
0x4e: {  	_ =	shalt  }
0x4f: {  	_ =	shalt  }
0x50: {  	_ =	shalt  }
0x51: {  	_ =	shalt  }
0x52: {  	_ =	shalt  }
0x53: {  	_ =	shalt  }
0x54: {  	_ =	shalt  }
0x55: {  	_ =	shalt  }
0x56: {  	_ =	shalt  }
0x57: {  	_ =	shalt  }
0x58: {  	_ =	shalt  }
0x59: {  	_ =	shalt  }
0x5a: {  	_ =	shalt  }
0x5b: {  	_ =	shalt  }
0x5c: {  	_ =	shalt  }
0x5d: {  	_ =	shalt  }
0x5e: {  	_ =	shalt  }
0x5f: {  	_ =	shalt  }
0x60: {  	_ =	shalt  }
0x61: {  	_ =	shalt  }
0x62: {  	_ =	shalt  }
0x63: {  	_ =	shalt  }
0x64: {  	_ =	shalt  }
0x65: {  	_ =	shalt  }
0x66: {  	_ =	shalt  }
0x67: {  	_ =	shalt  }
0x68: {  	_ =	shalt  }
0x69: {  	_ =	shalt  }
0x6a: {  	_ =	shalt  }
0x6b: {  	_ =	shalt  }
0x6c: {  	_ =	shalt  }
0x6d: {  	_ =	shalt  }
0x6e: {  	_ =	shalt  }
0x6f: {  	_ =	shalt  }
0x70: {  	_ =	shalt  }
0x71: {  	_ =	shalt  }
0x72: {  	_ =	shalt  }
0x73: {  	_ =	shalt  }
0x74: {  	_ =	shalt  }
0x75: {  	_ =	shalt  }
0x76: {  	_ =	shalt  }
0x77: {  	_ =	shalt  }
0x78: {  	_ =	shalt  }
0x79: {  	_ =	shalt  }
0x7a: {  	_ =	shalt  }
0x7b: {  	_ =	shalt  }
0x7c: {  	_ =	shalt  }
0x7d: {  	_ =	shalt  }
0x7e: {  	_ =	shalt  }
0x7f: {  	_ =	shalt  }
0x80: {  	_ =	shalt  }
0x81: {  	_ =	shalt  }
0x82: {  	_ =	shalt  }
0x83: {  	_ =	shalt  }
0x84: {  	_ =	shalt  }
0x85: {  	_ =	shalt  }
0x86: {  	_ =	shalt  }
0x87: {  	_ =	shalt  }
.Lfunc_end0:
.L_simem_size_0:
called_computation.2_lowered:
.L_overlay_start_0:
0x88: {  	s2 =	sld [smem:$0x3FD9]  }
0x89: {  	s3 =	sld [smem:$0x3FFE];
	_ =	sdelay $0x1  }
0x8a: {  	s1 =	srdreg.scid  }
0x8b: {  	s0 =	sand.u32 $0x1, s1  }
0x8c: {  	s17 =	sshll.u32 s0, $0xA;
	s2 =	sadd.s32 s3, s2  }
0x8d: {  	s2 =	sadd.s32 s2, s17  }
0x8e: {  	[smem:$0x3FC2] =	sst s2  }
0x8f: {  	_ = 	snop  }
0x90: {  	s2 =	sld [smem:$0x3FD0];
	(tm) =	ssettm $0x1  }
0x91: {  	s18 =	sld [smem:$0x3FFB];
	_ =	sdelay $0x3  }
0x92: {  	_ =	strace s18  }
0x93: {  	s3 =	sld [smem:$0x3FFC];
	_ =	sdelay $0x3  }
0x94: {  	_ =	strace s3  }
0x95: {  	s3 =	sld [smem:$0x3FFD];
	_ =	sdelay $0x3  }
0x96: {  	_ =	strace s3  }
0x97: {  	_ =	strace $0x8FFFFFFF  }
0x98: {  	s19 =	sld [smem:$0x3FDB];
	_ =	sdelay $0x1  }
0x99: {  	s4 =	simm.s32 $_scs_section_size  }
0x9a: {  	s5 =	simm.s32 $_size__tile_overlayer_lowered;
	s6 =	simm.s32 $_tile_overlayer_lowered  }
0x9b: {  	s22 =	simm.s32 $0x1BFF;
	s21 =	sshll.u32 s6, $0x1;
	s3 =	sadd.s32 s4, s19  }
0x9c: {  	s7 =	simm.s32 $0x0;
	s20 =	sshll.u32 s5, $0x1;
	s5 =	sadd.s32 s21, s3  }
0x9d: {  	[timem:s7], [sflag:s22] =	dma.local [hbm:s5], s20  }
0x9e: {  	_ =	swait.ge [sflag:s22], s20  }
0x9f: {  	s4 =	ssub.s32 $0x0, s20;
	[sflag:s22] =	ssyncset.done $0x0  }
0xa0: {  	[sflag:s22] =	ssyncadd.s32 s4;
	_ =	sdelay $0x1  }
0xa1: {  	s23 =	simm.s32 $0x1B8B  }
0xa2: {  	_ =	swait.ge [sflag:s23], $0x1  }
0xa3: {  	[sflag:s23] =	ssyncset.done $0x0  }
0xa4: {  	s25 =	simm.s32 $0x1B8E;
	s24 =	sld [smem:$0x3FFE];
	[sflag:s23] =	ssyncadd.s32 $0xFFFFFFFF  }
0xa5: {  	s26 =	simm.s32 $execute0_lowered;
	[smem:$0x3FD2] =	sst s25  }
0xa6: {  	s5 =	sshll.u32 s26, $0x1;
	_ =	strace $0x8000004C;
	[dreg:$0x1] =	wrdreg $0xFFFFFFFF  }
0xa7: {  	s28 =	simm.s32 $_size_execute0_lowered;
	s3 =	sadd.s32 s3, s5;
	[dreg:$0x0] =	wrdreg $0x0  }
0xa8: {  	s5 =	sshll.u32 s28, $0x1;
	[dreg:$0x2] =	wrdreg s3  }
0xa9: {  	[dreg:$0x3] =	wrdreg s5  }
0xaa: {  	[dreg:$0x4] =	wrdreg $0xC0  }
0xab: {  	_ =	task [dreg:s7], $0x5FFFF  }
0xac: {  	[dreg:$0x1] =	wrdreg $0xFFFFFFFF  }
0xad: {  	[dreg:$0x0] =	wrdreg $0x60  }
0xae: {  	[dreg:$0x2] =	wrdreg s24  }
0xaf: {  	[dreg:$0x3] =	wrdreg s2  }
0xb0: {  	[dreg:$0x4] =	wrdreg $0x9  }
0xb1: {  	_ =	task.clear_ibuf [dreg:s7], $0x5FFFF;
	_ =	strace $0x9000004C  }
0xb2: {  	s29 =	simm.s32 $0x9;
	_ =	strace $0x8000004E  }
0xb3: {  	_ =	swait.ge [sflag:s29], $0x1  }
0xb4: {  	[sflag:s29] =	ssyncadd.s32 $0xFFFFFFFF  }
0xb5: {  	_ =	strace $0x9000004E  }
0xb6: {  	_ =	sfence  }
0xb7: {  	s30 =	sld [smem:$0x0];
	_ =	sdelay $0x2  }
0xb8: {  	s31 =	sshll.u32 s1, $0xD;
	s1 =	sshrl.u32 s1, $0x2  }
0xb9: {  	s3 =	sand.u32 $0x4000, s31;
	s1 =	sadd.s32 s1, s30  }
0xba: {  	s0 =	sor.u32 s3, s0;
	s1 =	sshll.u32 s1, $0x11  }
0xbb: {  	s0 =	sor.u32 s1, s0  }
0xbc: {  	s0 =	sadd.s32 $0x8F2B, s0  }
0xbd: {  	[sflag:s0] =	ssyncadd.remote.s32 $0x1  }
0xbe: {  	_ =	sfence.sel $0xFFFF  }
0xbf: {  	[dreg:$0x0] =	wrdreg $0xFFFFFFFF;
	(pc) =	sbr.abs _section_cstart, $3  }
0xc0: {  	[dreg:$0x1] =	wrdreg $0xFFFFFFFF  }
0xc1: {  	_ =	task.clear_ibuf [dreg:s7], $0x2FFFF;
	_ =	strace $0x9FFFFFFF  }
0xc2: {  	(tm) =	ssettm $0x7FFFFFFF  }
0xc3: {  	_ =	shalt  }
tec
execute0_lowered:
.L_overlay_start_1:
0x0: {  	(tag) =	ssettag $0x1  }
0x1: {  	s0 =	srdreg.scid;
	s5 =	rddreg [dreg:$0x0]  }
0x2: {  	s7 =	rddreg [dreg:$0x1];
	s1 =	stileid.u32;
	s6 =	sand.u32 $0x1, s0  }
0x3: {  	s2 =	simm.s32 $0x0;
	s11 =	simm.s32 $0x5000;
	s3 =	sshll.u32 s6, $0x4  }
0x4: {  	s12 =	simm.s32 $0x7780;
	s0 =	rddreg [dreg:$0x2];
	s4 =	sor.u32 s1, s3  }
0x5: {  	s13 =	simm.s32 $0x0;
	[smem:$0x7FF] =	sst s2;
	s8 =	smul.u32 $0x2710, s4  }
0x6: {  	_ =	strace $0x8000004D;
	s6 =	ssub.s32 $0x2, s6;
	s9 =	smul.u32 $0x500, s4  }
0x7: {  	s3 =	sadd.s32 $0x2E00, s5;
	s10 =	sshrl.u32 s6, $0x1;
	s4 =	sadd.s32 $0x2800, s5  }
0x8: {  	s31 =	ssub.s32 s6, s10;
	s8 =	sshrl.u32 s8, $0x3;
	s9 =	sadd.s32 s9, s5  }
0x9: {  	s10 =	simm.s32 $0x2800;
	s5 =	sadd.s32 s7, s8;
	s7 =	sadd.s32 $0x3400, s9  }
0xa: {  	s8 =	smax.u32 s31, $0x1;
	s9 =	simm.s32 $0x1;
	s6 =	sadd.s32 $0x9C40, s5  }
.LBB2_1:
0xb: {  	[tilespmem:s2], [sflag:$0x1] =	stream.linear.gather [hbm4b:s3+s2], $0x2800, $0x38;
	[tilespmem:$0x9F00] =	vst v63  }
0xc: {  	_ =	swait.ge [sflag:s9], $0x2800  }
0xd: {  	[sflag:s9] =	ssyncset.done $0x0  }
0xe: {  	[sflag:s9] =	ssyncadd.s32 $0xFFFFD800  }
0xf: {  	[tilespmem:s10], [sflag:$0x1] =	stream.linear.gather [hbm4b:s4+s2], $0x2800, $0x38;
	[tilespmem:$0x9F00] =	vst v63  }
0x10: {  	_ =	swait.ge [sflag:s9], $0x2800  }
0x11: {  	[sflag:s9] =	ssyncset.done $0x0  }
0x12: {  	[sflag:s9] =	ssyncadd.s32 $0xFFFFD800  }
0x13: {  	[tilespmem:s11], [sflag:$0x1] =	stream.linear.gather [hbm4b:s5+s2], $0x2710, $0x38;
	[tilespmem:$0x9F00] =	vst v63  }
0x14: {  	_ =	swait.ge [sflag:s9], $0x2710  }
0x15: {  	[sflag:s9] =	ssyncset.done $0x0  }
0x16: {  	[sflag:s9] =	ssyncadd.s32 $0xFFFFD8F0  }
0x17: {  	[tilespmem:s12], [sflag:$0x1] =	stream.linear.gather [hbm4b:s6+s2], $0x2710, $0x38;
	[tilespmem:$0x9F00] =	vst v63  }
0x18: {  	_ =	swait.ge [sflag:s9], $0x2710  }
0x19: {  	[sflag:s9] =	ssyncset.done $0x0  }
0x1a: {  	s15 =	simm.s32 $0x5040;
	[sflag:s9] =	ssyncadd.s32 $0xFFFFD8F0  }
0x1b: {  	v0 =	vld [tilespmem:s15+$0x30]  }
0x1c: {  	v1 =	vld [tilespmem:s15+$0xFFFFFFD0]  }
0x1d: {  	v2 =	vld [tilespmem:s15+$0xFFFFFFE0]  }
0x1e: {  	v3 =	vld [tilespmem:s15+$0xFFFFFFF0]  }
0x1f: {  	v4 =	vld [tilespmem:s15+$0x0]  }
0x20: {  	s14 =	simm.s32 $0x77C0;
	v5 =	vld [tilespmem:s15+$0x10]  }
0x21: {  	v6 =	vld [tilespmem:s14+$0x30]  }
0x22: {  	v7 =	vld [tilespmem:s15+$0x20]  }
0x23: {  	v8 =	vld [tilespmem:s15+$0xFFFFFFC0]  }
0x24: {  	v63 =	vld [tilespmem:s14+$0xFFFFFFC0]  }
0x25: {  	v10 =	vld [tilespmem:s14+$0xFFFFFFD0]  }
0x26: {  	v11 =	vld [tilespmem:s14+$0xFFFFFFE0]  }
0x27: {  	v12 =	vld [tilespmem:s14+$0xFFFFFFF0]  }
0x28: {  	v13 =	vld [tilespmem:s14+$0x0]  }
0x29: {  	v14 =	vld [tilespmem:s14+$0x10]  }
0x2a: {  	v0 =	vld.idx.msk [tilespmem:v0+s2+$0x0], $0xffff  }
0x2b: {  	v9 =	vld.idx.msk [tilespmem:v1+s2+$0x0], $0xffff  }
0x2c: {  	v2 =	vld.idx.msk [tilespmem:v2+s2+$0x0], $0xffff  }
0x2d: {  	v3 =	vld.idx.msk [tilespmem:v3+s2+$0x0], $0xffff  }
0x2e: {  	v4 =	vld.idx.msk [tilespmem:v4+s2+$0x0], $0xffff  }
0x2f: {  	v62 =	vld.idx.msk [tilespmem:v8+s2+$0x0], $0xffff  }
0x30: {  	v5 =	vld.idx.msk [tilespmem:v5+s2+$0x0], $0xffff  }
0x31: {  	v1 =	vld [tilespmem:s14+$0x20]  }
0x32: {  	[tilespmem:v6+s10+$0x0] =	vst.idx.add.f32.msk $0xffff, v0  }
0x33: {  	v0 =	vld.idx.msk [tilespmem:v7+s2+$0x0], $0xffff  }
0x34: {  	[tilespmem:v63+s10+$0x0] =	vst.idx.add.f32.msk $0xffff, v62  }
0x35: {  	[tilespmem:v10+s10+$0x0] =	vst.idx.add.f32.msk $0xffff, v9  }
0x36: {  	[tilespmem:v11+s10+$0x0] =	vst.idx.add.f32.msk $0xffff, v2  }
0x37: {  	[tilespmem:v12+s10+$0x0] =	vst.idx.add.f32.msk $0xffff, v3  }
0x38: {  	[tilespmem:v13+s10+$0x0] =	vst.idx.add.f32.msk $0xffff, v4  }
0x39: {  	s16 =	simm.s32 $0x50C0;
	s15 =	simm.s32 $0x0;
	[tilespmem:v14+s10+$0x0] =	vst.idx.add.f32.msk $0xffff, v5  }
.LBB2_2:
0x3a: {  	v2 =	vld [tilespmem:s16+$0x30];
	s15 =	sadd.s32 $0x8, s15  }
0x3b: {  	v3 =	vld [tilespmem:s16+$0xFFFFFFD0];
	p0 =	slt.u32 s15, $0x268  }
0x3c: {  	v4 =	vld [tilespmem:s16+$0xFFFFFFE0]  }
0x3d: {  	v5 =	vld [tilespmem:s16+$0xFFFFFFF0]  }
0x3e: {  	v6 =	vld [tilespmem:s16+$0x0]  }
0x3f: {  	s14 =	sadd.s32 $0x80, s14;
	v7 =	vld [tilespmem:s16+$0x10]  }
0x40: {  	v8 =	vld [tilespmem:s14+$0x30]  }
0x41: {  	v9 =	vld [tilespmem:s16+$0x20]  }
0x42: {  	v2 =	vld.idx.msk [tilespmem:v2+s2+$0x0], $0xffff  }
0x43: {  	v10 =	vld [tilespmem:s16+$0xFFFFFFC0]  }
0x44: {  	v3 =	vld.idx.msk [tilespmem:v3+s2+$0x0], $0xffff  }
0x45: {  	v4 =	vld.idx.msk [tilespmem:v4+s2+$0x0], $0xffff  }
0x46: {  	v5 =	vld.idx.msk [tilespmem:v5+s2+$0x0], $0xffff  }
0x47: {  	v6 =	vld.idx.msk [tilespmem:v6+s2+$0x0], $0xffff  }
0x48: {  	[tilespmem:v8+s10+$0x0] =	vst.idx.add.f32.msk $0xffff, v2  }
0x49: {  	v2 =	vld.idx.msk [tilespmem:v7+s2+$0x0], $0xffff  }
0x4a: {  	v7 =	vld.idx.msk [tilespmem:v9+s2+$0x0], $0xffff  }
0x4b: {  	v8 =	vld.idx.msk [tilespmem:v10+s2+$0x0], $0xffff  }
0x4c: {  	v9 =	vld [tilespmem:s14+$0xFFFFFFC0]  }
0x4d: {  	v10 =	vld [tilespmem:s14+$0xFFFFFFD0]  }
0x4e: {  	v11 =	vld [tilespmem:s14+$0xFFFFFFE0]  }
0x4f: {  	v12 =	vld [tilespmem:s14+$0xFFFFFFF0]  }
0x50: {  	v13 =	vld [tilespmem:s14+$0x0]  }
0x51: {  	v14 =	vld [tilespmem:s14+$0x10]  }
0x52: {  	v15 =	vld [tilespmem:s14+$0x20]  }
0x53: {  	[tilespmem:v1+s10+$0x0] =	vst.idx.add.f32.msk $0xffff, v0;
	v0 =	vmov v7  }
0x54: {  	[tilespmem:v9+s10+$0x0] =	vst.idx.add.f32.msk $0xffff, v8  }
.Ltmp0:
0x55: {  	[tilespmem:v10+s10+$0x0] =	vst.idx.add.f32.msk $0xffff, v3;
	(pc) =	sbr.rel @p0 .LBB2_2-.Ltmp0, $4  }
0x56: {  	[tilespmem:v11+s10+$0x0] =	vst.idx.add.f32.msk $0xffff, v4  }
0x57: {  	[tilespmem:v12+s10+$0x0] =	vst.idx.add.f32.msk $0xffff, v5;
	v1 =	vmov v15  }
0x58: {  	[tilespmem:v13+s10+$0x0] =	vst.idx.add.f32.msk $0xffff, v6  }
0x59: {  	s16 =	sadd.s32 $0x80, s16;
	[tilespmem:v14+s10+$0x0] =	vst.idx.add.f32.msk $0xffff, v2  }
0x5a: {  	_ =	sdelay $0x3  }
0x5b: {  	[tilespmem:v1+s10+$0x0] =	vst.idx.add.f32.msk $0xffff, v0  }
0x5c: {  	v0 =	vld [tilespmem:$0x7700];
	_ =	sdelay $0x4  }
0x5d: {  	v1 =	vld [tilespmem:$0x9E80];
	_ =	sdelay $0x2  }
0x5e: {  	v0 =	vld.idx.msk [tilespmem:v0+s2+$0x0], $0xffff;
	_ =	sdelay $0x2  }
0x5f: {  	s13 =	sadd.s32 $0x1, s13  }
0x60: {  	p0 =	sne.s32 s13, s8  }
.Ltmp1:
0x61: {  	[tilespmem:v1+s10+$0x0] =	vst.idx.add.f32.msk $0xffff, v0;
	(pc) =	sbr.rel @p0 .LBB2_1-.Ltmp1, $4  }
0x62: {  	[hbm4b:s7+s2] =	stream.linear.scatter [tilespmem:s10], [sflag:$0x1], $0x2800, $0x38;
	[tilespmem:$0x9F00] =	vst v63  }
0x63: {  	_ =	swait.ge [sflag:s9], $0x2800  }
0x64: {  	[sflag:s9] =	ssyncset.done $0x0  }
0x65: {  	[sflag:s9] =	ssyncadd.s32 $0xFFFFD800  }
0x66: {  	_ =	sfence.sel $0x180000  }
0x67: {  	[bflag:$0x0] =	sbarrier.arrive $0xFFFF  }
0x68: {  	p0 =	sne.s32 s1, $0x0;
	_ =	strace $0x9000004D  }
0x69: {  	s0 =	sadd.s32 @!p0 $0x100000, s0;
	[bflag:$0x2] =	sbarrier.arrive $0xFFFF  }
0x6a: {  	[sflag:s0] =	ssyncadd.tile.s32 @!p0 $0x1;
	_ =	shalt  }
.Lfunc_end2:
_tile_overlayer_lowered:
.L_overlay_start_2:
0x6b: {  	(tag) =	ssettag $0x2  }
0x6c: {  	s0 =	rddreg [dreg:$0x0];
	s2 =	stileid.u32  }
0x6d: {  	s1 =	rddreg [dreg:$0x1];
	p0 =	sne.s32 s2, $0x0  }
0x6e: {  	s3 =	rddreg [dreg:$0x2];
	[bflag:$0x3] =	sbarrier.arrive $0xFFFF;
	s2 =	simm.s32 @!p0 $0x1C01  }
0x6f: {  	[timem:s3], [sflag:s2] =	dma.local @!p0 [hbm:s0], s1  }
0x70: {  	s0 =	simm.s32 @!p0 $0x1  }
0x71: {  	_ =	swait.ge @!p0 [sflag:s0], s1  }
0x72: {  	s1 =	ssub.s32 @!p0 $0x0, s1;
	[sflag:s0] =	ssyncset.done @!p0 $0x0  }
0x73: {  	[sflag:s0] =	ssyncadd.s32 @!p0 s1  }
0x74: {  	[bflag:$0x3] =	sbarrier.arrive $0xFFFF  }
0x75: {  	_ =	shalt  }

// kernel: kernel.9.cloned.1.call-start
scs
__scs_entry_jumppad:
0x0: {  	(pc) =	sbr.rel $0x88, $3  }
0x1: {  	(tag) =	ssettag $0x0;
	lr =	simm.s32 $0x1  }
0x2: {  	[smem:$0x3F9B] =	sst lr;
	_ =	strace $0xD0000000  }
0x3: {  	_ = 	snop  }
0x4: {  	_ = 	snop  }
0x5: {  	_ = 	snop  }
0x6: {  	_ = 	snop  }
0x7: {  	_ = 	snop  }
__scs_overlays_trampoline_lowered:
0x8: {  	[smem:$0x3FAA] =	sst s0  }
0x9: {  	[smem:$0x3FAB] =	sst s1  }
0xa: {  	[smem:$0x3FAC] =	sst s2  }
0xb: {  	[smem:$0x3FAD] =	sst s3  }
0xc: {  	[smem:$0x3FAE] =	sst s4  }
0xd: {  	[smem:$0x3FAF] =	sst s5  }
0xe: {  	[smem:$0x3FB0] =	sst s6  }
0xf: {  	[smem:$0x3FB1] =	sst s7  }
0x10: {  	[smem:$0x3FB2] =	sst s8  }
0x11: {  	[smem:$0x3FB3] =	sst s9;
	s0 =	simm.s32 @!p0 $0x0  }
0x12: {  	s1 =	sld [smem:$0x3F99];
	s0 =	simm.s32 @p0 $0x1  }
0x13: {  	[smem:$0x3FB4] =	sst s0;
	s0 =	simm.s32 @!p1 $0x0  }
0x14: {  	s2 =	sld [smem:$0x3F98];
	s0 =	simm.s32 @p1 $0x1  }
0x15: {  	[smem:$0x3FB5] =	sst s0;
	s0 =	simm.s32 @!p2 $0x0  }
0x16: {  	s3 =	sld [smem:$0x3FDB];
	s0 =	simm.s32 @p2 $0x1  }
0x17: {  	s4 =	simm.s32 $0x1BF5;
	[smem:$0x3FB7] =	sst s0  }
0x18: {  	s0 =	sld [smem:$0x3F9A];
	_ =	swait.ge [sflag:s4], $0x0  }
0x19: {  	s7 =	sld [smem:$0x3F9B]  }
0x1a: {  	s8 =	sadd.s32 $0xFFFFE003, lr  }
0x1b: {  	s9 =	sadd.s32 $0xFFFFFEF7, lr;
	s5 =	simm.s32 $0xFFFFFFFF;
	p2 =	slt.u32 s8, $0xFFFFF086  }
0x1c: {  	p1 =	slt.u32 s9, $0xF7A;
	s5 =	simm.s32 @!p2 $0x0  }
0x1d: {  	s5 =	simm.s32 @p1 $0x1;
	p0 =	seq.s32 s7, s2  }
0x1e: {  	s7 =	smul.u32 @!p0 $0xF7A, s2;
	p2 =	seq.s32 @!p0 s5, $0x0  }
0x1f: {  	s9 =	smul.u32 $0xF7A, s1;
	s8 =	simm.s32 @!p0 $0x1BF5;
	p2 =	por !p2, p0  }
0x20: {  	[sflag:s8] =	ssyncset.s32 @!p0 $0xFFFFF086;
	s6 =	sadd.s32 @!p0 s3, s7;
	s7 =	simm.s32 @!p0 $0x108  }
0x21: {  	s3 =	sadd.s32 s3, s9;
	s6 =	sadd.s32 @!p0 $0x88, s6;
	s7 =	simm.s32 @p2 $0x1082  }
0x22: {  	[simem:s7], [sflag:s8] =	dma.local @!p0 [hbm:s6], $0xF7A  }
0x23: {  	s9 =	sor.u32 $0xD0000000, s2;
	s6 =	simm.s32 $0x108;
	_ =	swait.ge @!p0 [sflag:s8], $0x0  }
0x24: {  	s3 =	sadd.s32 $0x88, s3;
	s6 =	simm.s32 @!p1 $0x1082;
	[sflag:s4] =	ssyncset.s32 $0xFFFFF086  }
0x25: {  	[simem:s6], [sflag:s4] =	dma.local [hbm:s3], $0xF7A  }
0x26: {  	[smem:$0x3F9B] =	sst s1;
	(tag) =	ssettag s2;
	_ =	strace s9  }
0x27: {  	s1 =	sld [smem:$0x3FAB]  }
0x28: {  	s2 =	sld [smem:$0x3FAC]  }
0x29: {  	s4 =	sld [smem:$0x3FAE]  }
0x2a: {  	p0 =	seq.s32 s5, $0x0;
	s5 =	sld [smem:$0x3FAF]  }
0x2b: {  	s6 =	sld [smem:$0x3FB0]  }
0x2c: {  	s7 =	sld [smem:$0x3FB1]  }
0x2d: {  	s3 =	simm.s32 $0x108;
	s8 =	sld [smem:$0x3FB2]  }
0x2e: {  	s3 =	simm.s32 @!p0 $0x1082;
	s9 =	sld [smem:$0x3FB3]  }
0x2f: {  	lr =	sadd.s32 s0, s3;
	s0 =	sld [smem:$0x3FAA]  }
0x30: {  	s3 =	sld [smem:$0x3FAD]  }
0x31: {  	[smem:$0x3FB6] =	sst s10  }
0x32: {  	s10 =	sld [smem:$0x3FB4];
	_ =	sdelay $0x3  }
0x33: {  	p0 =	seq.s32 s10, $0x1;
	s10 =	sld [smem:$0x3FB6];
	_ =	sdelay $0x3  }
0x34: {  	[smem:$0x3FB6] =	sst s10  }
0x35: {  	s10 =	sld [smem:$0x3FB5];
	_ =	sdelay $0x3  }
0x36: {  	p1 =	seq.s32 s10, $0x1;
	s10 =	sld [smem:$0x3FB6];
	_ =	sdelay $0x3  }
0x37: {  	[smem:$0x3FB6] =	sst s10  }
0x38: {  	s10 =	sld [smem:$0x3FB7]  }
0x39: {  	_ = 	snop;
	(pc) =	sbr.ind lr, $3  }
0x3a: {  	_ = 	snop  }
0x3b: {  	_ = 	snop  }
0x3c: {  	p2 =	seq.s32 s10, $0x1;
	s10 =	sld [smem:$0x3FB6]  }
0x3d: {  	_ =	shalt  }
0x3e: {  	_ =	shalt  }
0x3f: {  	_ =	shalt  }
0x40: {  	_ =	shalt  }
0x41: {  	_ =	shalt  }
0x42: {  	_ =	shalt  }
0x43: {  	_ =	shalt  }
0x44: {  	_ =	shalt  }
0x45: {  	_ =	shalt  }
0x46: {  	_ =	shalt  }
0x47: {  	_ =	shalt  }
0x48: {  	_ =	shalt  }
0x49: {  	_ =	shalt  }
0x4a: {  	_ =	shalt  }
0x4b: {  	_ =	shalt  }
0x4c: {  	_ =	shalt  }
0x4d: {  	_ =	shalt  }
0x4e: {  	_ =	shalt  }
0x4f: {  	_ =	shalt  }
0x50: {  	_ =	shalt  }
0x51: {  	_ =	shalt  }
0x52: {  	_ =	shalt  }
0x53: {  	_ =	shalt  }
0x54: {  	_ =	shalt  }
0x55: {  	_ =	shalt  }
0x56: {  	_ =	shalt  }
0x57: {  	_ =	shalt  }
0x58: {  	_ =	shalt  }
0x59: {  	_ =	shalt  }
0x5a: {  	_ =	shalt  }
0x5b: {  	_ =	shalt  }
0x5c: {  	_ =	shalt  }
0x5d: {  	_ =	shalt  }
0x5e: {  	_ =	shalt  }
0x5f: {  	_ =	shalt  }
0x60: {  	_ =	shalt  }
0x61: {  	_ =	shalt  }
0x62: {  	_ =	shalt  }
0x63: {  	_ =	shalt  }
0x64: {  	_ =	shalt  }
0x65: {  	_ =	shalt  }
0x66: {  	_ =	shalt  }
0x67: {  	_ =	shalt  }
0x68: {  	_ =	shalt  }
0x69: {  	_ =	shalt  }
0x6a: {  	_ =	shalt  }
0x6b: {  	_ =	shalt  }
0x6c: {  	_ =	shalt  }
0x6d: {  	_ =	shalt  }
0x6e: {  	_ =	shalt  }
0x6f: {  	_ =	shalt  }
0x70: {  	_ =	shalt  }
0x71: {  	_ =	shalt  }
0x72: {  	_ =	shalt  }
0x73: {  	_ =	shalt  }
0x74: {  	_ =	shalt  }
0x75: {  	_ =	shalt  }
0x76: {  	_ =	shalt  }
0x77: {  	_ =	shalt  }
0x78: {  	_ =	shalt  }
0x79: {  	_ =	shalt  }
0x7a: {  	_ =	shalt  }
0x7b: {  	_ =	shalt  }
0x7c: {  	_ =	shalt  }
0x7d: {  	_ =	shalt  }
0x7e: {  	_ =	shalt  }
0x7f: {  	_ =	shalt  }
0x80: {  	_ =	shalt  }
0x81: {  	_ =	shalt  }
0x82: {  	_ =	shalt  }
0x83: {  	_ =	shalt  }
0x84: {  	_ =	shalt  }
0x85: {  	_ =	shalt  }
0x86: {  	_ =	shalt  }
0x87: {  	_ =	shalt  }
.Lfunc_end0:
.L_simem_size_0:
called_computation_lowered:
.L_overlay_start_0:
0x88: {  	s2 =	sld [smem:$0x3FD9]  }
0x89: {  	s3 =	sld [smem:$0x3FFE];
	_ =	sdelay $0x1  }
0x8a: {  	s1 =	srdreg.scid  }
0x8b: {  	s0 =	sand.u32 $0x1, s1  }
0x8c: {  	s17 =	sshll.u32 s0, $0xA;
	s2 =	sadd.s32 s3, s2  }
0x8d: {  	s2 =	sadd.s32 s2, s17  }
0x8e: {  	[smem:$0x3FC2] =	sst s2  }
0x8f: {  	_ = 	snop  }
0x90: {  	s2 =	sld [smem:$0x3FD0];
	(tm) =	ssettm $0x1  }
0x91: {  	s18 =	sld [smem:$0x3FFB];
	_ =	sdelay $0x3  }
0x92: {  	_ =	strace s18  }
0x93: {  	s3 =	sld [smem:$0x3FFC];
	_ =	sdelay $0x3  }
0x94: {  	_ =	strace s3  }
0x95: {  	s3 =	sld [smem:$0x3FFD];
	_ =	sdelay $0x3  }
0x96: {  	_ =	strace s3  }
0x97: {  	_ =	strace $0x8FFFFFFF  }
0x98: {  	s19 =	sld [smem:$0x3FDB];
	_ =	sdelay $0x1  }
0x99: {  	s4 =	simm.s32 $_scs_section_size  }
0x9a: {  	s5 =	simm.s32 $_size__tile_overlayer_lowered;
	s6 =	simm.s32 $_tile_overlayer_lowered  }
0x9b: {  	s22 =	simm.s32 $0x1BFF;
	s21 =	sshll.u32 s6, $0x1;
	s3 =	sadd.s32 s4, s19  }
0x9c: {  	s7 =	simm.s32 $0x0;
	s20 =	sshll.u32 s5, $0x1;
	s5 =	sadd.s32 s21, s3  }
0x9d: {  	[timem:s7], [sflag:s22] =	dma.local [hbm:s5], s20  }
0x9e: {  	_ =	swait.ge [sflag:s22], s20  }
0x9f: {  	s4 =	ssub.s32 $0x0, s20;
	[sflag:s22] =	ssyncset.done $0x0  }
0xa0: {  	[sflag:s22] =	ssyncadd.s32 s4;
	_ =	sdelay $0x1  }
0xa1: {  	s23 =	simm.s32 $0x1B8B  }
0xa2: {  	_ =	swait.ge [sflag:s23], $0x1  }
0xa3: {  	[sflag:s23] =	ssyncset.done $0x0  }
0xa4: {  	s25 =	simm.s32 $0x1B8E;
	s24 =	sld [smem:$0x3FFE];
	[sflag:s23] =	ssyncadd.s32 $0xFFFFFFFF  }
0xa5: {  	s26 =	simm.s32 $execute0_lowered;
	[smem:$0x3FD2] =	sst s25  }
0xa6: {  	s5 =	sshll.u32 s26, $0x1;
	_ =	strace $0x80000046;
	[dreg:$0x1] =	wrdreg $0xFFFFFFFF  }
0xa7: {  	s28 =	simm.s32 $_size_execute0_lowered;
	s3 =	sadd.s32 s3, s5;
	[dreg:$0x0] =	wrdreg $0x0  }
0xa8: {  	s5 =	sshll.u32 s28, $0x1;
	[dreg:$0x2] =	wrdreg s3  }
0xa9: {  	[dreg:$0x3] =	wrdreg s5  }
0xaa: {  	[dreg:$0x4] =	wrdreg $0xC0  }
0xab: {  	_ =	task [dreg:s7], $0x5FFFF  }
0xac: {  	[dreg:$0x1] =	wrdreg $0xFFFFFFFF  }
0xad: {  	[dreg:$0x0] =	wrdreg $0x60  }
0xae: {  	[dreg:$0x2] =	wrdreg s2  }
0xaf: {  	[dreg:$0x3] =	wrdreg s24  }
0xb0: {  	[dreg:$0x4] =	wrdreg $0x9  }
0xb1: {  	_ =	task.clear_ibuf [dreg:s7], $0x5FFFF;
	_ =	strace $0x90000046  }
0xb2: {  	s29 =	simm.s32 $0x9;
	_ =	strace $0x80000048  }
0xb3: {  	_ =	swait.ge [sflag:s29], $0x1  }
0xb4: {  	[sflag:s29] =	ssyncadd.s32 $0xFFFFFFFF  }
0xb5: {  	_ =	strace $0x90000048  }
0xb6: {  	_ =	sfence  }
0xb7: {  	s30 =	sld [smem:$0x0];
	_ =	sdelay $0x2  }
0xb8: {  	s31 =	sshll.u32 s1, $0xD;
	s1 =	sshrl.u32 s1, $0x2  }
0xb9: {  	s3 =	sand.u32 $0x4000, s31;
	s1 =	sadd.s32 s1, s30  }
0xba: {  	s0 =	sor.u32 s3, s0;
	s1 =	sshll.u32 s1, $0x11  }
0xbb: {  	s0 =	sor.u32 s1, s0  }
0xbc: {  	s0 =	sadd.s32 $0x8F2B, s0  }
0xbd: {  	[sflag:s0] =	ssyncadd.remote.s32 $0x1  }
0xbe: {  	_ =	sfence.sel $0xFFFF  }
0xbf: {  	[dreg:$0x0] =	wrdreg $0xFFFFFFFF;
	(pc) =	sbr.abs _section_cstart, $3  }
0xc0: {  	[dreg:$0x1] =	wrdreg $0xFFFFFFFF  }
0xc1: {  	_ =	task.clear_ibuf [dreg:s7], $0x2FFFF;
	_ =	strace $0x9FFFFFFF  }
0xc2: {  	(tm) =	ssettm $0x7FFFFFFF  }
0xc3: {  	_ =	shalt  }
tec
execute0_lowered:
.L_overlay_start_1:
0x0: {  	(tag) =	ssettag $0x1  }
0x1: {  	s0 =	srdreg.scid;
	s4 =	rddreg [dreg:$0x0]  }
0x2: {  	s5 =	rddreg [dreg:$0x1];
	s1 =	stileid.u32;
	s3 =	sand.u32 $0x1, s0  }
0x3: {  	s2 =	simm.s32 $0x0;
	s0 =	rddreg [dreg:$0x2];
	s6 =	sshll.u32 s3, $0x4  }
0x4: {  	[smem:$0x7FF] =	sst s2;
	s8 =	ssub.s32 $0x2, s3;
	s6 =	sor.u32 s1, s6  }
0x5: {  	_ =	strace $0x80000047;
	s9 =	sshrl.u32 s8, $0x1;
	s7 =	smul.u32 $0x2710, s6  }
0x6: {  	s3 =	sadd.s32 $0x2800, s5;
	s6 =	smul.u32 $0x500, s6;
	s31 =	ssub.s32 s8, s9  }
0x7: {  	s8 =	simm.s32 $0x1;
	s9 =	simm.s32 $0x0;
	s7 =	sshrl.u32 s7, $0x3  }
0x8: {  	s5 =	sadd.s32 s6, s5;
	s6 =	smax.u32 s31, $0x1;
	s4 =	sadd.s32 s4, s7  }
0x9: {  	v0 =	vimm.f32 $1.000000000e+00;
	s5 =	sadd.s32 $0x2E00, s5;
	s7 =	simm.s32 $0x2780;
	s4 =	sadd.s32 $0x9C40, s4  }
.LBB2_1:
0xa: {  	[tilespmem:s7], [sflag:$0x1] =	stream.linear.gather [hbm4b:s3+s2], $0x2800, $0x38;
	[tilespmem:$0x4F80] =	vst v63  }
0xb: {  	_ =	swait.ge [sflag:s8], $0x2800  }
0xc: {  	[sflag:s8] =	ssyncset.done $0x0  }
0xd: {  	[sflag:s8] =	ssyncadd.s32 $0xFFFFD800  }
0xe: {  	[tilespmem:s2], [sflag:$0x1] =	stream.linear.gather [hbm4b:s4+s2], $0x2710, $0x38;
	[tilespmem:$0x4F80] =	vst v63  }
0xf: {  	_ =	swait.ge [sflag:s8], $0x2710  }
0x10: {  	[sflag:s8] =	ssyncset.done $0x0  }
0x11: {  	s10 =	simm.s32 $0x40;
	[sflag:s8] =	ssyncadd.s32 $0xFFFFD8F0  }
0x12: {  	v2 =	vld [tilespmem:s10+$0xFFFFFFC0]  }
0x13: {  	v3 =	vld [tilespmem:s10+$0x30]  }
0x14: {  	v4 =	vld [tilespmem:s10+$0x20]  }
0x15: {  	v5 =	vld [tilespmem:s10+$0x10]  }
0x16: {  	v6 =	vld [tilespmem:s10+$0x0]  }
0x17: {  	v7 =	vld [tilespmem:s10+$0xFFFFFFF0]  }
0x18: {  	v8 =	vld [tilespmem:s10+$0xFFFFFFE0]  }
0x19: {  	v1 =	vld [tilespmem:s10+$0xFFFFFFD0]  }
0x1a: {  	[tilespmem:v2+s7+$0x0] =	vst.idx.add.f32.msk $0xffff, v0  }
0x1b: {  	[tilespmem:v3+s7+$0x0] =	vst.idx.add.f32.msk $0xffff, v0  }
0x1c: {  	[tilespmem:v4+s7+$0x0] =	vst.idx.add.f32.msk $0xffff, v0  }
0x1d: {  	[tilespmem:v5+s7+$0x0] =	vst.idx.add.f32.msk $0xffff, v0  }
0x1e: {  	[tilespmem:v6+s7+$0x0] =	vst.idx.add.f32.msk $0xffff, v0  }
0x1f: {  	[tilespmem:v7+s7+$0x0] =	vst.idx.add.f32.msk $0xffff, v0  }
0x20: {  	s11 =	simm.s32 $0x0;
	[tilespmem:v8+s7+$0x0] =	vst.idx.add.f32.msk $0xffff, v0  }
.LBB2_2:
0x21: {  	s11 =	sadd.s32 $0x8, s11;
	[tilespmem:v1+s7+$0x0] =	vst.idx.add.f32.msk $0xffff, v0;
	s10 =	sadd.s32 $0x80, s10  }
0x22: {  	v2 =	vld [tilespmem:s10+$0xFFFFFFC0];
	p0 =	slt.u32 s11, $0x268  }
0x23: {  	v3 =	vld [tilespmem:s10+$0x30]  }
0x24: {  	v4 =	vld [tilespmem:s10+$0x20]  }
0x25: {  	v5 =	vld [tilespmem:s10+$0x10]  }
0x26: {  	v6 =	vld [tilespmem:s10+$0x0]  }
0x27: {  	v7 =	vld [tilespmem:s10+$0xFFFFFFF0]  }
0x28: {  	v8 =	vld [tilespmem:s10+$0xFFFFFFE0]  }
0x29: {  	v1 =	vld [tilespmem:s10+$0xFFFFFFD0]  }
0x2a: {  	[tilespmem:v2+s7+$0x0] =	vst.idx.add.f32.msk $0xffff, v0  }
0x2b: {  	[tilespmem:v3+s7+$0x0] =	vst.idx.add.f32.msk $0xffff, v0  }
.Ltmp0:
0x2c: {  	[tilespmem:v4+s7+$0x0] =	vst.idx.add.f32.msk $0xffff, v0;
	(pc) =	sbr.rel @p0 .LBB2_2-.Ltmp0, $4  }
0x2d: {  	[tilespmem:v5+s7+$0x0] =	vst.idx.add.f32.msk $0xffff, v0  }
0x2e: {  	[tilespmem:v6+s7+$0x0] =	vst.idx.add.f32.msk $0xffff, v0  }
0x2f: {  	[tilespmem:v7+s7+$0x0] =	vst.idx.add.f32.msk $0xffff, v0  }
0x30: {  	[tilespmem:v8+s7+$0x0] =	vst.idx.add.f32.msk $0xffff, v0  }
0x31: {  	_ =	sdelay $0x3  }
0x32: {  	[tilespmem:v1+s7+$0x0] =	vst.idx.add.f32.msk $0xffff, v0  }
0x33: {  	v1 =	vld [tilespmem:$0x2700];
	_ =	sdelay $0x5  }
0x34: {  	s9 =	sadd.s32 $0x1, s9  }
0x35: {  	p0 =	sne.s32 s9, s6  }
.Ltmp1:
0x36: {  	[tilespmem:v1+s7+$0x0] =	vst.idx.add.f32.msk $0xffff, v0;
	(pc) =	sbr.rel @p0 .LBB2_1-.Ltmp1, $4  }
0x37: {  	[hbm4b:s5+s2] =	stream.linear.scatter [tilespmem:s7], [sflag:$0x1], $0x2800, $0x38;
	[tilespmem:$0x4F80] =	vst v63  }
0x38: {  	_ =	swait.ge [sflag:s8], $0x2800  }
0x39: {  	[sflag:s8] =	ssyncset.done $0x0  }
0x3a: {  	[sflag:s8] =	ssyncadd.s32 $0xFFFFD800  }
0x3b: {  	_ =	sfence.sel $0x180000  }
0x3c: {  	[bflag:$0x0] =	sbarrier.arrive $0xFFFF  }
0x3d: {  	p0 =	sne.s32 s1, $0x0;
	_ =	strace $0x90000047  }
0x3e: {  	s0 =	sadd.s32 @!p0 $0x100000, s0;
	[bflag:$0x2] =	sbarrier.arrive $0xFFFF  }
0x3f: {  	[sflag:s0] =	ssyncadd.tile.s32 @!p0 $0x1;
	_ =	shalt  }
.Lfunc_end2:
_tile_overlayer_lowered:
.L_overlay_start_2:
0x40: {  	(tag) =	ssettag $0x2  }
0x41: {  	s0 =	rddreg [dreg:$0x0];
	s2 =	stileid.u32  }
0x42: {  	s1 =	rddreg [dreg:$0x1];
	p0 =	sne.s32 s2, $0x0  }
0x43: {  	s3 =	rddreg [dreg:$0x2];
	[bflag:$0x3] =	sbarrier.arrive $0xFFFF;
	s2 =	simm.s32 @!p0 $0x1C01  }
0x44: {  	[timem:s3], [sflag:s2] =	dma.local @!p0 [hbm:s0], s1  }
0x45: {  	s0 =	simm.s32 @!p0 $0x1  }
0x46: {  	_ =	swait.ge @!p0 [sflag:s0], s1  }
0x47: {  	s1 =	ssub.s32 @!p0 $0x0, s1;
	[sflag:s0] =	ssyncset.done @!p0 $0x0  }
0x48: {  	[sflag:s0] =	ssyncadd.s32 @!p0 s1  }
0x49: {  	[bflag:$0x3] =	sbarrier.arrive $0xFFFF  }
0x4a: {  	_ =	shalt  }

</sc_bundles>
